<compile_context>
chip_gen: v7x
topology: tpu7x:2x2x1
jax: 0.10.2.dev20260603
libtpu: 0.0.44.dev20260713+nightly
codegen_flags: <defaults>
</compile_context>

<pallas_src>
import functools

import jax
import jax.numpy as jnp
from jax.experimental import pallas as pl
from jax.experimental.pallas import tpu as pltpu

D = 768
N = 2048
ND = N // 2
E = 8
H = 768
TS = 0.6
B = 2
NTOK = B * ND
K_KEEP = max(1, int(ND * (1.0 - TS)))


import math

_SQRT2 = math.sqrt(2.0)


def _gelu(x):
    return x * (jax.lax.erf(x / _SQRT2) + 1.0) / 2.0


def _ln(x, g, b, eps=1e-5):
    m = jnp.mean(x, axis=-1, keepdims=True)
    v = jnp.mean((x - m) ** 2, axis=-1, keepdims=True)
    return (x - m) / jnp.sqrt(v + eps) * g + b


def _dot(a, b):
    return jax.lax.dot_general(a, b, (((1,), (0,)), ((), ())),
                               preferred_element_type=jnp.float32)


def _dotb(a, b):
    return jax.lax.dot_general(a.astype(jnp.bfloat16),
                               b.astype(jnp.bfloat16),
                               (((1,), (0,)), ((), ())),
                               preferred_element_type=jnp.float32)



BLKC = 256
NPAD = NTOK + E * BLKC
NBLK = NPAD // BLKC
NHIST = 512


def _kth_thresh(s):
    n = s.shape[0]
    ones = jnp.full((1, n), 1.0, jnp.float32)
    lane = jax.lax.broadcasted_iota(jnp.int32, (1, NHIST), 1)
    lanef = lane.astype(jnp.float32)
    lo = jnp.min(s)
    width = jnp.max(s) - lo
    for _ in range(5):
        step = width / NHIST
        edges = lo + lanef * step
        g = (s >= edges).astype(jnp.float32)
        cnt = _dot(ones, g)
        lo = jnp.max(jnp.where(cnt >= K_KEEP, edges, lo))
        width = step
    return lo


def _ab_body(xpk, poolw, w1, b1, w2r, b2, wr, br, lng, lnb, rw, rb, spwr,
             spb, imp_out, xd_out, tv_out, ppos_out, be_out, mask_out,
             sp_out):
    xp = xpk[...]
    xe = xp[:, :D]
    xo = xp[:, D:]
    w1v = w1[...]
    w2v = w2r[...]
    a1e = jnp.maximum(_dotb(xe, w1v) + b1[...], 0.0)
    a1o = jnp.maximum(_dotb(xo, w1v) + b1[...], 0.0)
    impe = jnp.sum(a1e * w2v, axis=-1, keepdims=True) + b2[0, 0]
    impo = jnp.sum(a1o * w2v, axis=-1, keepdims=True) + b2[0, 0]
    imp_out[...] = jnp.concatenate([impe, impo], axis=1)

    pw = poolw[...]
    pm = jnp.max(pw, axis=-1, keepdims=True)
    pe = jnp.exp(pw - pm)
    ps = pe / jnp.sum(pe, axis=-1, keepdims=True)
    xd0 = xe * ps[:, 0:1] + xo * ps[:, 1:2]
    h = _dot(xd0, wr[...]) + br[...]
    x = _gelu(_ln(h, lng[...], lnb[...]))
    xd_out[...] = x

    logits = _dot(x, rw[...]) + rb[...]
    lm = jnp.max(logits, axis=-1, keepdims=True)
    eg = jnp.exp(logits - lm)
    gates = eg / jnp.sum(eg, axis=-1, keepdims=True)
    gmax = jnp.max(gates, axis=-1, keepdims=True)
    lane = jax.lax.broadcasted_iota(jnp.int32, (NTOK, E), 1)
    eid = jnp.min(jnp.where(gates >= gmax, lane, E + 1), axis=-1,
                  keepdims=True)
    tv_out[...] = gmax

    onehot = (lane == eid).astype(jnp.float32)
    cnt_e = jnp.sum(onehot, axis=0, keepdims=True)
    pc = jnp.ceil(cnt_e * (1.0 / BLKC)) * BLKC
    fr = jax.lax.broadcasted_iota(jnp.int32, (E, E), 0)
    fc = jax.lax.broadcasted_iota(jnp.int32, (E, E), 1)
    pstart = _dot(pc, (fr > fc).astype(jnp.float32))
    li = jax.lax.broadcasted_iota(jnp.int32, (128, 128), 0)
    lj = jax.lax.broadcasted_iota(jnp.int32, (128, 128), 1)
    ltri = (lj < li).astype(jnp.float32)
    run = jnp.zeros((1, E), jnp.float32)
    pps = []
    for c in range(NTOK // 128):
        g = onehot[c * 128:(c + 1) * 128]
        rank = _dot(ltri, g) + run + pstart
        pps.append(jnp.sum(rank * g, axis=1, keepdims=True))
        run = run + jnp.sum(g, axis=0, keepdims=True)
    ppos_out[...] = jnp.concatenate(pps, axis=0).astype(jnp.int32)

    brow = (jax.lax.broadcasted_iota(jnp.int32, (NBLK, E), 0)
            .astype(jnp.float32) * BLKC)
    bl = jax.lax.broadcasted_iota(jnp.int32, (NBLK, E), 1)
    act = (brow >= pstart) & (brow < pstart + pc)
    be_out[...] = (jnp.sum(jnp.where(act, bl + 1, 0), axis=1,
                           keepdims=True) - 1).astype(jnp.int32)

    score = _dot(x, spwr[...]) + spb[0, 0]
    thr0 = _kth_thresh(score[:ND])
    thr1 = _kth_thresh(score[ND:])
    row = jax.lax.broadcasted_iota(jnp.int32, (NTOK, 1), 0)
    thr = jnp.where(row < ND, thr0, thr1)
    mask = (score >= thr).astype(jnp.float32)
    mask_out[...] = mask
    sp_out[...] = jnp.reshape(1.0 - jnp.sum(mask) / float(NTOK), (1, 1))


def _stage_ab(*args):
    return pl.pallas_call(
        _ab_body,
        in_specs=[pl.BlockSpec(a.shape, lambda: (0,) * a.ndim)
                  for a in args],
        out_specs=[
            pl.BlockSpec((NTOK, 2), lambda: (0, 0)),
            pl.BlockSpec((NTOK, D), lambda: (0, 0)),
            pl.BlockSpec((NTOK, 1), lambda: (0, 0)),
            pl.BlockSpec((NTOK, 1), lambda: (0, 0)),
            pl.BlockSpec((NBLK, 1), lambda: (0, 0)),
            pl.BlockSpec((NTOK, 1), lambda: (0, 0)),
            pl.BlockSpec((1, 1), lambda: (0, 0)),
        ],
        out_shape=[
            jax.ShapeDtypeStruct((NTOK, 2), jnp.float32),
            jax.ShapeDtypeStruct((NTOK, D), jnp.float32),
            jax.ShapeDtypeStruct((NTOK, 1), jnp.float32),
            jax.ShapeDtypeStruct((NTOK, 1), jnp.int32),
            jax.ShapeDtypeStruct((NBLK, 1), jnp.int32),
            jax.ShapeDtypeStruct((NTOK, 1), jnp.float32),
            jax.ShapeDtypeStruct((1, 1), jnp.float32),
        ],
    )(*args)



_ROWS_W = NTOK // 32


def _sc_mesh():
    from jax.experimental.pallas import tpu_sc as plsc
    return plsc.VectorSubcoreMesh(core_axis_name="c", subcore_axis_name="s")


def _sc_permute(rows, idx, out_rows, reverse):
    from jax import lax
    dt = rows.dtype

    def body(rows_hbm, idx_hbm, out_hbm, idx_v, rows_v, sem):
        wid = lax.axis_index("s") * 2 + lax.axis_index("c")
        base = wid * _ROWS_W
        pltpu.sync_copy(idx_hbm.at[pl.ds(base, _ROWS_W)], idx_v)
        if reverse:
            pltpu.async_copy(rows_hbm.at[idx_v], rows_v, sem).wait()
            pltpu.sync_copy(rows_v, out_hbm.at[pl.ds(base, _ROWS_W)])
        else:
            pltpu.sync_copy(rows_hbm.at[pl.ds(base, _ROWS_W)], rows_v)
            pltpu.async_copy(rows_v, out_hbm.at[idx_v], sem).wait()

    return pl.kernel(
        body,
        mesh=_sc_mesh(),
        out_type=jax.ShapeDtypeStruct((out_rows, D), dt),
        scratch_types=[
            pltpu.VMEM((_ROWS_W,), jnp.int32),
            pltpu.VMEM((_ROWS_W, D), dt),
            pltpu.SemaphoreType.DMA,
        ],
    )(rows, idx)



def _c_body(be_s, xs, w1, b1, w2, b2, out):
    be = be_s[pl.program_id(0)]

    @pl.when(be >= 0)
    def _():
        h = _gelu(_dotb(xs[...], w1[0]) + b1[0])
        out[...] = _dotb(h, w2[0]) + b2[0]


def _stage_c(be, xs, w1, b1, w2, b2):
    grid_spec = pltpu.PrefetchScalarGridSpec(
        num_scalar_prefetch=1,
        grid=(NBLK,),
        in_specs=[
            pl.BlockSpec((BLKC, D), lambda nb, be: (nb, 0)),
            pl.BlockSpec((1, D, H),
                         lambda nb, be: (jnp.where(be[nb] < 0, E - 1, be[nb]), 0, 0)),
            pl.BlockSpec((1, 1, H),
                         lambda nb, be: (jnp.where(be[nb] < 0, E - 1, be[nb]), 0, 0)),
            pl.BlockSpec((1, H, D),
                         lambda nb, be: (jnp.where(be[nb] < 0, E - 1, be[nb]), 0, 0)),
            pl.BlockSpec((1, 1, D),
                         lambda nb, be: (jnp.where(be[nb] < 0, E - 1, be[nb]), 0, 0)),
        ],
        out_specs=pl.BlockSpec((BLKC, D), lambda nb, be: (nb, 0)),
    )
    return pl.pallas_call(
        _c_body,
        grid_spec=grid_spec,
        out_shape=jax.ShapeDtypeStruct((NPAD, D), jnp.float32),
    )(be, xs, w1, b1, w2, b2)



def _d_body(ffn, tv, msk, xpk, vpwr, vpb, outw, outb, bks, uw1, ub1, ulng,
            ulnb, uw2, ub2, pospk, rlng, rlnb, rw1, rb1, rw2, rb2, sl, sr,
            out):
    f = tv[...] * ffn[...].astype(jnp.float32)
    v = jnp.clip(jnp.sum(f * vpwr[...], axis=-1, keepdims=True) + vpb[0, 0],
                 -3.0, 3.0)
    den = v * v + 1.0
    m = msk[...]
    f0 = jnp.clip((v / den) * m, -10.0, 10.0)
    f1 = jnp.clip((-1.0 / den) * m, -10.0, 10.0)
    spec = f0 * outw[0:1, :] + f1 * outw[1:2, :] + outb[...]
    x_low = f + bks[0, 0] * spec
    t1 = _dotb(x_low, uw1[...]) + ub1[...]
    t1 = _gelu(_ln(t1, ulng[...], ulnb[...]))
    xt = _dotb(t1, uw2[...]) + ub2[...]
    xu = xt + pospk[...]
    res = xpk[...] + sl[0, 0] * xu
    g = rlng[...]
    b = rlnb[...]
    for half in range(2):
        s = slice(half * D, (half + 1) * D)
        u = xu[:, s]
        n = _ln(u, g, b)
        r = _dotb(_gelu(_dotb(n, rw1[...]) + rb1[...]), rw2[...]) + rb2[...]
        out[:, s] = res[:, s] + sr[0, 0] * r


def _stage_d(ffn, tv, msk, xpk, vpwr, vpb, outw, outb, bks, uw1, ub1, ulng,
             ulnb, uw2, ub2, pospk, rlng, rlnb, rw1, rb1, rw2, rb2, sl, sr):
    tb = 256
    full = lambda a: pl.BlockSpec(a.shape, lambda t: (0,) * a.ndim)
    return pl.pallas_call(
        _d_body,
        grid=(NTOK // tb,),
        in_specs=[
            pl.BlockSpec((tb, D), lambda t: (t, 0)),
            pl.BlockSpec((tb, 1), lambda t: (t, 0)),
            pl.BlockSpec((tb, 1), lambda t: (t, 0)),
            pl.BlockSpec((tb, 2 * D), lambda t: (t, 0)),
            full(vpwr), full(vpb), full(outw), full(outb), full(bks),
            full(uw1), full(ub1), full(ulng), full(ulnb), full(uw2),
            full(ub2), full(pospk), full(rlng), full(rlnb), full(rw1),
            full(rb1), full(rw2), full(rb2), full(sl), full(sr),
        ],
        out_specs=pl.BlockSpec((tb, 2 * D), lambda t: (t, 0)),
        out_shape=jax.ShapeDtypeStruct((NTOK, 2 * D), jnp.float32),
    )(ffn, tv, msk, xpk, vpwr, vpb, outw, outb, bks, uw1, ub1, ulng, ulnb,
      uw2, ub2, pospk, rlng, rlnb, rw1, rb1, rw2, rb2, sl, sr)


def kernel(x, ds_w1, ds_b1, ds_w2, ds_b2, pool_w, ds_wr, ds_br, ds_lng,
           ds_lnb, router_w, router_b, e_w1, e_b1, e_w2, e_b2, vp_w, vp_b,
           sp_w, sp_b, out_w, out_b, bk_scale, up_w1, up_b1, up_lng, up_lnb,
           up_w2, up_b2, pos_embed, rf_lng, rf_lnb, rf_w1, rf_b1, rf_w2,
           rf_b2, scale_low, scale_ref):
    r1 = lambda a: a.reshape(1, -1)
    s11 = lambda a: a.reshape(1, 1)
    xpk = x.reshape(NTOK, 2 * D)
    bf = lambda a: a.astype(jnp.bfloat16)

    imp_c, xd, tv, ppos, be, mask, sp = _stage_ab(
        xpk, jnp.tile(pool_w, (B, 1)), bf(ds_w1), r1(ds_b1), r1(ds_w2),
        s11(ds_b2), ds_wr, r1(ds_br), r1(ds_lng), r1(ds_lnb), router_w,
        r1(router_b), sp_w, s11(sp_b))
    ppos_f = ppos.reshape(NTOK)
    xs = _sc_permute(xd, ppos_f, NPAD, reverse=False)
    ys = _stage_c(be.reshape(NBLK), xs, bf(e_w1), e_b1.reshape(E, 1, H),
                  bf(e_w2), e_b2.reshape(E, 1, D))
    ffn = _sc_permute(ys, ppos_f, NTOK, reverse=True)
    out_pk = _stage_d(
        ffn, tv, mask, xpk, r1(vp_w), s11(vp_b), out_w, r1(out_b),
        s11(bk_scale), bf(up_w1), r1(up_b1), r1(up_lng), r1(up_lnb),
        bf(up_w2), r1(up_b2), pos_embed.reshape(1, 2 * D), r1(rf_lng),
        r1(rf_lnb), bf(rf_w1), r1(rf_b1), bf(rf_w2), r1(rf_b2),
        s11(scale_low), s11(scale_ref))

    out = out_pk.reshape(B, N, D)
    imp = imp_c.reshape(B, N)
    return out, imp, sp[0, 0]

# --- scband reference (transcript-rebuilt; emitter-appended) ---
"""Pipeline reference for scband-multi-scale-bklayer-62319975465271 (READ-ONLY COPY).

The authoritative reference and input builder live on the scoring server;
editing this copy changes nothing except your own understanding.
"""

import jax, jax.numpy as jnp
import numpy as np

D = 768
N = 2048
ND = N // 2
E = 8
H = 768
TS = 0.6

def _ln(x, g, b, eps=1e-5):
    m = jnp.mean(x, axis=-1, keepdims=True)
    v = jnp.var(x, axis=-1, keepdims=True)
    return (x - m) / jnp.sqrt(v + eps) * g + b

def setup_inputs(seed: int = 0):
    key = jax.random.key(seed)
    ks = jax.random.split(key, 40)
    def nrm(i, shape, s=0.02):
        return jax.random.normal(ks[i], shape, dtype=jnp.float32) * s
    inp = {}
    inp['x'] = jax.random.normal(ks[0], (2, N, D), dtype=jnp.float32)
    inp['ds_w1'] = nrm(1, (D, D // 2)); inp['ds_b1'] = jnp.zeros((D // 2,), jnp.float32)
    inp['ds_w2'] = nrm(2, (D // 2, 1)); inp['ds_b2'] = jnp.zeros((1,), jnp.float32)
    inp['pool_w'] = jax.random.normal(ks[3], (ND, 2), dtype=jnp.float32)
    inp['ds_wr'] = nrm(4, (D, D)); inp['ds_br'] = jnp.zeros((D,), jnp.float32)
    inp['ds_lng'] = jnp.ones((D,), jnp.float32); inp['ds_lnb'] = jnp.zeros((D,), jnp.float32)
    inp['router_w'] = nrm(5, (D, E)); inp['router_b'] = jnp.zeros((E,), jnp.float32)
    inp['e_w1'] = nrm(6, (E, D, H)); inp['e_b1'] = jnp.zeros((E, H), jnp.float32)
    inp['e_w2'] = nrm(7, (E, H, D)); inp['e_b2'] = jnp.zeros((E, D), jnp.float32)
    inp['vp_w'] = nrm(8, (D, 1)); inp['vp_b'] = jnp.zeros((1,), jnp.float32)
    inp['sp_w'] = nrm(9, (D, 1)); inp['sp_b'] = jnp.zeros((1,), jnp.float32)
    inp['out_w'] = nrm(10, (2, D)); inp['out_b'] = jnp.zeros((D,), jnp.float32)
    inp['bk_scale'] = jnp.array(1.0, jnp.float32)
    inp['up_w1'] = nrm(11, (D, 2 * D)); inp['up_b1'] = jnp.zeros((2 * D,), jnp.float32)
    inp['up_lng'] = jnp.ones((2 * D,), jnp.float32); inp['up_lnb'] = jnp.zeros((2 * D,), jnp.float32)
    inp['up_w2'] = nrm(12, (2 * D, 2 * D)); inp['up_b2'] = jnp.zeros((2 * D,), jnp.float32)
    inp['pos_embed'] = nrm(13, (2, D))
    inp['rf_lng'] = jnp.ones((D,), jnp.float32); inp['rf_lnb'] = jnp.zeros((D,), jnp.float32)
    inp['rf_w1'] = nrm(14, (D, D)); inp['rf_b1'] = jnp.zeros((D,), jnp.float32)
    inp['rf_w2'] = nrm(15, (D, D)); inp['rf_b2'] = jnp.zeros((D,), jnp.float32)
    inp['scale_low'] = jnp.array(0.5, jnp.float32)
    inp['scale_ref'] = jnp.array(0.3, jnp.float32)
    return inp

def reference(x, ds_w1, ds_b1, ds_w2, ds_b2, pool_w, ds_wr, ds_br, ds_lng, ds_lnb, router_w, router_b, e_w1, e_b1, e_w2, e_b2, vp_w, vp_b, sp_w, sp_b, out_w, out_b, bk_scale, up_w1, up_b1, up_lng, up_lnb, up_w2, up_b2, pos_embed, rf_lng, rf_lnb, rf_w1, rf_b1, rf_w2, rf_b2, scale_low, scale_ref):
    B = x.shape[0]
    # AdaptiveDownsampling
    imp = (jax.nn.relu(x @ ds_w1 + ds_b1) @ ds_w2 + ds_b2)[..., 0]
    xg = x.reshape(B, ND, 2, D)
    w = jax.nn.softmax(pool_w, axis=-1)[None, :, :, None]
    xd = (xg * w).sum(axis=2)
    xd = jax.nn.gelu(_ln(xd @ ds_wr + ds_br, ds_lng, ds_lnb), approximate=False)
    # SparseMoELayer (top-1 routing)
    logits = xd @ router_w + router_b
    gates = jax.nn.softmax(logits, axis=-1)
    top_val, top_idx = jax.lax.top_k(gates, 1)
    oh = jax.nn.one_hot(top_idx[..., 0], E, dtype=x.dtype) * top_val
    h1 = jax.nn.gelu(jnp.einsum('btd,edh->ebth', xd, e_w1) + e_b1[:, None, None, :], approximate=False)
    eo = jnp.einsum('ebth,ehd->ebtd', h1, e_w2) + e_b2[:, None, None, :]
    ffn_out = jnp.einsum('ebtd,bte->btd', eo, oh)
    # SparseBKLayerWithMoE core
    v = jnp.clip((ffn_out @ vp_w + vp_b)[..., 0], -3.0, 3.0)
    score = (xd @ sp_w + sp_b)[..., 0]
    k_keep = max(1, int(ND * (1.0 - TS)))
    topv, _ = jax.lax.top_k(score, k_keep)
    thr = topv[..., -1:]
    mask = (score >= thr).astype(x.dtype)
    den = v * v + 1.0
    feats = jnp.stack([v / den, -1.0 / den], axis=-1) * mask[..., None]
    feats = jnp.clip(feats, -10.0, 10.0)
    spec = feats @ out_w + out_b
    x_low = ffn_out + bk_scale * spec
    # AdaptiveUpsampling
    xt = jax.nn.gelu(_ln(x_low @ up_w1 + up_b1, up_lng, up_lnb), approximate=False) @ up_w2 + up_b2
    xu = xt.reshape(B, ND, 2, D) + pos_embed[None, None]
    xu = xu.reshape(B, N, D)
    # Refine + residual combine
    ref = jax.nn.gelu(_ln(xu, rf_lng, rf_lnb) @ rf_w1 + rf_b1, approximate=False) @ rf_w2 + rf_b2
    out = x + scale_low * xu + scale_ref * ref
    sparsity_ratio = 1.0 - mask.mean()
    return out, imp, sparsity_ratio

if __name__ == "__main__":
    import jax
    _d = setup_inputs()
    print(jax.jit(kernel)(*tuple(_d.values())))

</pallas_src>

<mosaic_0001>
#map = affine_map<(d0, d1) -> (0, 0)>
#map1 = affine_map<(d0, d1) -> (0)>
module attributes {stable_mosaic.version = 14 : i64} {
  func.func @body(%arg0: i32, %arg1: i32, %arg2: memref<4096x768xf32, #tpu.memory_space<hbm>>, %arg3: memref<2048xi32, #tpu.memory_space<hbm>>, %arg4: memref<2048x768xf32, #tpu.memory_space<hbm>>, %arg5: memref<64xi32, #tpu.memory_space<vmem>>, %arg6: memref<64x768xf32, #tpu.memory_space<vmem>>, %arg7: memref<!tpu.dma_semaphore, #tpu.memory_space<semaphore_mem>>) attributes {dimension_semantics = [#tpu.dimension_semantics<core_parallel>, #tpu.dimension_semantics<subcore_parallel>], iteration_bounds = array<i64: 2, 16>, scalar_prefetch = 0 : i64, scratch_operands = 3 : i64, tpu.core_type = #tpu.core_type<sc_vector_subcore>, window_params = [{transform_indices = #map}, {transform_indices = #map1}, {transform_indices = #map}]} {
    %mul3A = arith.constant 2 : i32
    %mul3A_0 = arith.muli %arg1, %mul3A : i32
    %add3A = arith.addi %mul3A_0, %arg0 : i32
    %mul3A_1 = arith.constant 64 : i32
    %mul3A_2 = arith.muli %add3A, %mul3A_1 : i32
    "tpu.region"() ({
      %run_scoped3A = tpu.sem_alloc : memref<!tpu.dma_semaphore, #tpu.memory_space<semaphore_mem>>
      %dma_start3A_7 = tpu.memref_slice %arg3[%mul3A_2] : memref<2048xi32, #tpu.memory_space<hbm>> -> memref<64xi32, #tpu.memory_space<hbm>>
      %dma_start3A_8 = tpu.memref_slice %arg3[%mul3A_2] : memref<2048xi32, #tpu.memory_space<hbm>> -> memref<64xi32, #tpu.memory_space<hbm>>
      tpu.enqueue_dma source(%dma_start3A_8 : memref<64xi32, #tpu.memory_space<hbm>>) target(%arg5 : memref<64xi32, #tpu.memory_space<vmem>>) target_semaphore(%run_scoped3A : memref<!tpu.dma_semaphore, #tpu.memory_space<semaphore_mem>>)
      %dma_wait3A_9 = tpu.memref_slice %arg3[%mul3A_2] : memref<2048xi32, #tpu.memory_space<hbm>> -> memref<64xi32, #tpu.memory_space<hbm>>
      %dma_wait3A_10 = tpu.memref_slice %arg3[%mul3A_2] : memref<2048xi32, #tpu.memory_space<hbm>> -> memref<64xi32, #tpu.memory_space<hbm>>
      tpu.wait_dma2 semaphore(%run_scoped3A : memref<!tpu.dma_semaphore, #tpu.memory_space<semaphore_mem>>) src(%dma_wait3A_10 : memref<64xi32, #tpu.memory_space<hbm>>) dst(%arg5 : memref<64xi32, #tpu.memory_space<vmem>>)
      tpu.yield
    }) : () -> ()
    %dma_start3A = arith.constant 0 : i32
    %dma_start3A_3 = arith.constant 0 : i32
    %dma_start3A_4 = tpu.memref_slice %arg2[%dma_start3A, %dma_start3A_3] : memref<4096x768xf32, #tpu.memory_space<hbm>> -> memref<4096x768xf32, #tpu.memory_space<hbm>>
    tpu.enqueue_indirect_dma source(%dma_start3A_4 : memref<4096x768xf32, #tpu.memory_space<hbm>>) target(%arg6 : memref<64x768xf32, #tpu.memory_space<vmem>>) offsets(%arg5 : memref<64xi32, #tpu.memory_space<vmem>>) semaphore(%arg7 : memref<!tpu.dma_semaphore, #tpu.memory_space<semaphore_mem>>)
    %dma_wait3A = arith.constant 0 : i32
    %dma_wait3A_5 = arith.constant 0 : i32
    %dma_wait3A_6 = tpu.memref_slice %arg2[%dma_wait3A, %dma_wait3A_5] : memref<4096x768xf32, #tpu.memory_space<hbm>> -> memref<4096x768xf32, #tpu.memory_space<hbm>>
    tpu.wait_indirect_dma semaphore(%arg7 : memref<!tpu.dma_semaphore, #tpu.memory_space<semaphore_mem>>) src(%dma_wait3A_6 : memref<4096x768xf32, #tpu.memory_space<hbm>>) dst(%arg6 : memref<64x768xf32, #tpu.memory_space<vmem>>)
    "tpu.region"() ({
      %run_scoped3A = tpu.sem_alloc : memref<!tpu.dma_semaphore, #tpu.memory_space<semaphore_mem>>
      %dma_start3A_7 = arith.constant 0 : i32
      %dma_start3A_8 = tpu.memref_slice %arg4[%mul3A_2, %dma_start3A_7] : memref<2048x768xf32, #tpu.memory_space<hbm>> -> memref<64x768xf32, #tpu.memory_space<hbm>>
      %dma_start3A_9 = arith.constant 0 : i32
      %dma_start3A_10 = tpu.memref_slice %arg4[%mul3A_2, %dma_start3A_9] : memref<2048x768xf32, #tpu.memory_space<hbm>> -> memref<64x768xf32, #tpu.memory_space<hbm>>
      tpu.enqueue_dma source(%arg6 : memref<64x768xf32, #tpu.memory_space<vmem>>) target(%dma_start3A_10 : memref<64x768xf32, #tpu.memory_space<hbm>>) target_semaphore(%run_scoped3A : memref<!tpu.dma_semaphore, #tpu.memory_space<semaphore_mem>>)
      %dma_wait3A_11 = arith.constant 0 : i32
      %dma_wait3A_12 = tpu.memref_slice %arg4[%mul3A_2, %dma_wait3A_11] : memref<2048x768xf32, #tpu.memory_space<hbm>> -> memref<64x768xf32, #tpu.memory_space<hbm>>
      %dma_wait3A_13 = arith.constant 0 : i32
      %dma_wait3A_14 = tpu.memref_slice %arg4[%mul3A_2, %dma_wait3A_13] : memref<2048x768xf32, #tpu.memory_space<hbm>> -> memref<64x768xf32, #tpu.memory_space<hbm>>
      tpu.wait_dma2 semaphore(%run_scoped3A : memref<!tpu.dma_semaphore, #tpu.memory_space<semaphore_mem>>) src(%arg6 : memref<64x768xf32, #tpu.memory_space<vmem>>) dst(%dma_wait3A_14 : memref<64x768xf32, #tpu.memory_space<hbm>>)
      tpu.yield
    }) : () -> ()
    return
  }
}

#map = affine_map<(d0, d1) -> (0, 0)>
#map1 = affine_map<(d0, d1) -> (0)>
module attributes {stable_mosaic.version = 14 : i64} {
  func.func @body(%arg0: i32, %arg1: i32, %arg2: memref<2048x768xf32, #tpu.memory_space<hbm>>, %arg3: memref<2048xi32, #tpu.memory_space<hbm>>, %arg4: memref<4096x768xf32, #tpu.memory_space<hbm>>, %arg5: memref<64xi32, #tpu.memory_space<vmem>>, %arg6: memref<64x768xf32, #tpu.memory_space<vmem>>, %arg7: memref<!tpu.dma_semaphore, #tpu.memory_space<semaphore_mem>>) attributes {dimension_semantics = [#tpu.dimension_semantics<core_parallel>, #tpu.dimension_semantics<subcore_parallel>], iteration_bounds = array<i64: 2, 16>, scalar_prefetch = 0 : i64, scratch_operands = 3 : i64, tpu.core_type = #tpu.core_type<sc_vector_subcore>, window_params = [{transform_indices = #map}, {transform_indices = #map1}, {transform_indices = #map}]} {
    %mul3A = arith.constant 2 : i32
    %mul3A_0 = arith.muli %arg1, %mul3A : i32
    %add3A = arith.addi %mul3A_0, %arg0 : i32
    %mul3A_1 = arith.constant 64 : i32
    %mul3A_2 = arith.muli %add3A, %mul3A_1 : i32
    "tpu.region"() ({
      %run_scoped3A = tpu.sem_alloc : memref<!tpu.dma_semaphore, #tpu.memory_space<semaphore_mem>>
      %dma_start3A_7 = tpu.memref_slice %arg3[%mul3A_2] : memref<2048xi32, #tpu.memory_space<hbm>> -> memref<64xi32, #tpu.memory_space<hbm>>
      %dma_start3A_8 = tpu.memref_slice %arg3[%mul3A_2] : memref<2048xi32, #tpu.memory_space<hbm>> -> memref<64xi32, #tpu.memory_space<hbm>>
      tpu.enqueue_dma source(%dma_start3A_8 : memref<64xi32, #tpu.memory_space<hbm>>) target(%arg5 : memref<64xi32, #tpu.memory_space<vmem>>) target_semaphore(%run_scoped3A : memref<!tpu.dma_semaphore, #tpu.memory_space<semaphore_mem>>)
      %dma_wait3A_9 = tpu.memref_slice %arg3[%mul3A_2] : memref<2048xi32, #tpu.memory_space<hbm>> -> memref<64xi32, #tpu.memory_space<hbm>>
      %dma_wait3A_10 = tpu.memref_slice %arg3[%mul3A_2] : memref<2048xi32, #tpu.memory_space<hbm>> -> memref<64xi32, #tpu.memory_space<hbm>>
      tpu.wait_dma2 semaphore(%run_scoped3A : memref<!tpu.dma_semaphore, #tpu.memory_space<semaphore_mem>>) src(%dma_wait3A_10 : memref<64xi32, #tpu.memory_space<hbm>>) dst(%arg5 : memref<64xi32, #tpu.memory_space<vmem>>)
      tpu.yield
    }) : () -> ()
    "tpu.region"() ({
      %run_scoped3A = tpu.sem_alloc : memref<!tpu.dma_semaphore, #tpu.memory_space<semaphore_mem>>
      %dma_start3A_7 = arith.constant 0 : i32
      %dma_start3A_8 = tpu.memref_slice %arg2[%mul3A_2, %dma_start3A_7] : memref<2048x768xf32, #tpu.memory_space<hbm>> -> memref<64x768xf32, #tpu.memory_space<hbm>>
      %dma_start3A_9 = arith.constant 0 : i32
      %dma_start3A_10 = tpu.memref_slice %arg2[%mul3A_2, %dma_start3A_9] : memref<2048x768xf32, #tpu.memory_space<hbm>> -> memref<64x768xf32, #tpu.memory_space<hbm>>
      tpu.enqueue_dma source(%dma_start3A_10 : memref<64x768xf32, #tpu.memory_space<hbm>>) target(%arg6 : memref<64x768xf32, #tpu.memory_space<vmem>>) target_semaphore(%run_scoped3A : memref<!tpu.dma_semaphore, #tpu.memory_space<semaphore_mem>>)
      %dma_wait3A_11 = arith.constant 0 : i32
      %dma_wait3A_12 = tpu.memref_slice %arg2[%mul3A_2, %dma_wait3A_11] : memref<2048x768xf32, #tpu.memory_space<hbm>> -> memref<64x768xf32, #tpu.memory_space<hbm>>
      %dma_wait3A_13 = arith.constant 0 : i32
      %dma_wait3A_14 = tpu.memref_slice %arg2[%mul3A_2, %dma_wait3A_13] : memref<2048x768xf32, #tpu.memory_space<hbm>> -> memref<64x768xf32, #tpu.memory_space<hbm>>
      tpu.wait_dma2 semaphore(%run_scoped3A : memref<!tpu.dma_semaphore, #tpu.memory_space<semaphore_mem>>) src(%dma_wait3A_14 : memref<64x768xf32, #tpu.memory_space<hbm>>) dst(%arg6 : memref<64x768xf32, #tpu.memory_space<vmem>>)
      tpu.yield
    }) : () -> ()
    %dma_start3A = arith.constant 0 : i32
    %dma_start3A_3 = arith.constant 0 : i32
    %dma_start3A_4 = tpu.memref_slice %arg4[%dma_start3A, %dma_start3A_3] : memref<4096x768xf32, #tpu.memory_space<hbm>> -> memref<4096x768xf32, #tpu.memory_space<hbm>>
    tpu.enqueue_indirect_dma source(%arg6 : memref<64x768xf32, #tpu.memory_space<vmem>>) target(%dma_start3A_4 : memref<4096x768xf32, #tpu.memory_space<hbm>>) offsets(%arg5 : memref<64xi32, #tpu.memory_space<vmem>>) semaphore(%arg7 : memref<!tpu.dma_semaphore, #tpu.memory_space<semaphore_mem>>)
    %dma_wait3A = arith.constant 0 : i32
    %dma_wait3A_5 = arith.constant 0 : i32
    %dma_wait3A_6 = tpu.memref_slice %arg4[%dma_wait3A, %dma_wait3A_5] : memref<4096x768xf32, #tpu.memory_space<hbm>> -> memref<4096x768xf32, #tpu.memory_space<hbm>>
    tpu.wait_indirect_dma semaphore(%arg7 : memref<!tpu.dma_semaphore, #tpu.memory_space<semaphore_mem>>) src(%arg6 : memref<64x768xf32, #tpu.memory_space<vmem>>) dst(%dma_wait3A_6 : memref<4096x768xf32, #tpu.memory_space<hbm>>)
    return
  }
}

module attributes {stable_mosaic.version = 14 : i64} {
  func.func @_ab_body(%arg0: memref<2048x1536xf32, #tpu.memory_space<vmem>>, %arg1: memref<2048x2xf32, #tpu.memory_space<vmem>>, %arg2: memref<768x384xbf16, #tpu.memory_space<vmem>>, %arg3: memref<1x384xf32, #tpu.memory_space<vmem>>, %arg4: memref<1x384xf32, #tpu.memory_space<vmem>>, %arg5: memref<1x1xf32, #tpu.memory_space<vmem>>, %arg6: memref<768x768xf32, #tpu.memory_space<vmem>>, %arg7: memref<1x768xf32, #tpu.memory_space<vmem>>, %arg8: memref<1x768xf32, #tpu.memory_space<vmem>>, %arg9: memref<1x768xf32, #tpu.memory_space<vmem>>, %arg10: memref<768x8xf32, #tpu.memory_space<vmem>>, %arg11: memref<1x8xf32, #tpu.memory_space<vmem>>, %arg12: memref<768x1xf32, #tpu.memory_space<vmem>>, %arg13: memref<1x1xf32, #tpu.memory_space<vmem>>, %arg14: memref<2048x2xf32, #tpu.memory_space<vmem>>, %arg15: memref<2048x768xf32, #tpu.memory_space<vmem>>, %arg16: memref<2048x1xf32, #tpu.memory_space<vmem>>, %arg17: memref<2048x1xi32, #tpu.memory_space<vmem>>, %arg18: memref<16x1xi32, #tpu.memory_space<vmem>>, %arg19: memref<2048x1xf32, #tpu.memory_space<vmem>>, %arg20: memref<1x1xf32, #tpu.memory_space<vmem>>) attributes {dimension_semantics = [], scalar_prefetch = 0 : i64, scratch_operands = 0 : i64, tpu.core_type = #tpu.core_type<tc>} {
    %get3A = arith.constant 0 : index
    %get3A_0 = arith.constant 0 : index
    %get3A_1 = vector.load %arg0[%get3A, %get3A_0] : memref<2048x1536xf32, #tpu.memory_space<vmem>>, vector<2048x1536xf32>
    %slice3A = vector.extract_strided_slice %get3A_1 {offsets = [0, 0], sizes = [2048, 768], strides = [1, 1]} : vector<2048x1536xf32> to vector<2048x768xf32>
    %slice3A_2 = vector.extract_strided_slice %get3A_1 {offsets = [0, 768], sizes = [2048, 768], strides = [1, 1]} : vector<2048x1536xf32> to vector<2048x768xf32>
    %get3A_3 = arith.constant 0 : index
    %get3A_4 = arith.constant 0 : index
    %get3A_5 = vector.load %arg2[%get3A_3, %get3A_4] : memref<768x384xbf16, #tpu.memory_space<vmem>>, vector<768x384xbf16>
    %get3A_6 = arith.constant 0 : index
    %get3A_7 = arith.constant 0 : index
    %get3A_8 = vector.load %arg4[%get3A_6, %get3A_7] : memref<1x384xf32, #tpu.memory_space<vmem>>, vector<1x384xf32>
    %convert_element_type3A = arith.truncf %slice3A : vector<2048x768xf32> to vector<2048x768xbf16>
    %dot_general3A = arith.constant dense<0.000000e+00> : vector<2048x384xf32>
    %dot_general3A_9 = tpu.matmul %convert_element_type3A, %get3A_5, %dot_general3A {dimension_numbers = #tpu.dot_dimension_numbers<[1], [0], [0], [1], [0, 0, 1, 1], [], []>, transpose_lhs_hint = false} : vector<2048x768xbf16>, vector<768x384xbf16>, vector<2048x384xf32> -> vector<2048x384xf32>
    %get3A_10 = arith.constant 0 : index
    %get3A_11 = arith.constant 0 : index
    %get3A_12 = vector.load %arg3[%get3A_10, %get3A_11] : memref<1x384xf32, #tpu.memory_space<vmem>>, vector<1x384xf32>
    %add3A = vector.broadcast %get3A_12 : vector<1x384xf32> to vector<2048x384xf32>
    %add3A_13 = arith.addf %dot_general3A_9, %add3A : vector<2048x384xf32>
    %max3A = arith.constant 0.000000e+00 : f32
    %max3A_14 = vector.broadcast %max3A : f32 to vector<2048x384xf32>
    %max3A_15 = arith.maximumf %add3A_13, %max3A_14 : vector<2048x384xf32>
    %convert_element_type3A_16 = arith.truncf %slice3A_2 : vector<2048x768xf32> to vector<2048x768xbf16>
    %dot_general3A_17 = arith.constant dense<0.000000e+00> : vector<2048x384xf32>
    %dot_general3A_18 = tpu.matmul %convert_element_type3A_16, %get3A_5, %dot_general3A_17 {dimension_numbers = #tpu.dot_dimension_numbers<[1], [0], [0], [1], [0, 0, 1, 1], [], []>, transpose_lhs_hint = false} : vector<2048x768xbf16>, vector<768x384xbf16>, vector<2048x384xf32> -> vector<2048x384xf32>
    %get3A_19 = arith.constant 0 : index
    %get3A_20 = arith.constant 0 : index
    %get3A_21 = vector.load %arg3[%get3A_19, %get3A_20] : memref<1x384xf32, #tpu.memory_space<vmem>>, vector<1x384xf32>
    %add3A_22 = vector.broadcast %get3A_21 : vector<1x384xf32> to vector<2048x384xf32>
    %add3A_23 = arith.addf %dot_general3A_18, %add3A_22 : vector<2048x384xf32>
    %max3A_24 = arith.constant 0.000000e+00 : f32
    %max3A_25 = vector.broadcast %max3A_24 : f32 to vector<2048x384xf32>
    %max3A_26 = arith.maximumf %add3A_23, %max3A_25 : vector<2048x384xf32>
    %mul3A = vector.broadcast %get3A_8 : vector<1x384xf32> to vector<2048x384xf32>
    %mul3A_27 = arith.mulf %max3A_15, %mul3A : vector<2048x384xf32>
    %reduce_sum3A = arith.constant dense<0.000000e+00> : vector<2048xf32>
    %reduce_sum3A_28 = vector.multi_reduction <add>, %mul3A_27, %reduce_sum3A [1] : vector<2048x384xf32> to vector<2048xf32>
    %broadcast_in_dim3A = vector.shape_cast %reduce_sum3A_28 : vector<2048xf32> to vector<2048x1xf32>
    %get3A_29 = arith.constant 0 : index
    %get3A_30 = arith.constant 0 : index
    %get3A_31 = vector.load %arg5[%get3A_29, %get3A_30] : memref<1x1xf32, #tpu.memory_space<vmem>>, vector<1x1xf32>
    %get3A_32 = vector.extract %get3A_31[0, 0] : f32 from vector<1x1xf32>
    %add3A_33 = vector.broadcast %get3A_32 : f32 to vector<2048x1xf32>
    %add3A_34 = arith.addf %broadcast_in_dim3A, %add3A_33 : vector<2048x1xf32>
    %mul3A_35 = vector.broadcast %get3A_8 : vector<1x384xf32> to vector<2048x384xf32>
    %mul3A_36 = arith.mulf %max3A_26, %mul3A_35 : vector<2048x384xf32>
    %reduce_sum3A_37 = arith.constant dense<0.000000e+00> : vector<2048xf32>
    %reduce_sum3A_38 = vector.multi_reduction <add>, %mul3A_36, %reduce_sum3A_37 [1] : vector<2048x384xf32> to vector<2048xf32>
    %broadcast_in_dim3A_39 = vector.shape_cast %reduce_sum3A_38 : vector<2048xf32> to vector<2048x1xf32>
    %get3A_40 = arith.constant 0 : index
    %get3A_41 = arith.constant 0 : index
    %get3A_42 = vector.load %arg5[%get3A_40, %get3A_41] : memref<1x1xf32, #tpu.memory_space<vmem>>, vector<1x1xf32>
    %get3A_43 = vector.extract %get3A_42[0, 0] : f32 from vector<1x1xf32>
    %add3A_44 = vector.broadcast %get3A_43 : f32 to vector<2048x1xf32>
    %add3A_45 = arith.addf %broadcast_in_dim3A_39, %add3A_44 : vector<2048x1xf32>
    %concatenate3A = tpu.concatenate %add3A_34, %add3A_45 in 1 : vector<2048x1xf32>, vector<2048x1xf32> -> vector<2048x2xf32>
    %swap3A = arith.constant 0 : index
    %swap3A_46 = arith.constant 0 : index
    %swap3A_47 = vector.load %arg14[%swap3A, %swap3A_46] : memref<2048x2xf32, #tpu.memory_space<vmem>>, vector<2048x2xf32>
    tpu.vector_store %arg14[%swap3A, %swap3A_46], %concatenate3A {strides = array<i32>} : memref<2048x2xf32, #tpu.memory_space<vmem>>, vector<2048x2xf32>,
    %get3A_48 = arith.constant 0 : index
    %get3A_49 = arith.constant 0 : index
    %get3A_50 = vector.load %arg1[%get3A_48, %get3A_49] : memref<2048x2xf32, #tpu.memory_space<vmem>>, vector<2048x2xf32>
    %reduce_max3A = arith.constant dense<0xFF800000> : vector<2048xf32>
    %reduce_max3A_51 = vector.multi_reduction <maximumf>, %get3A_50, %reduce_max3A [1] : vector<2048x2xf32> to vector<2048xf32>
    %broadcast_in_dim3A_52 = vector.shape_cast %reduce_max3A_51 : vector<2048xf32> to vector<2048x1xf32>
    %sub3A = vector.broadcast %broadcast_in_dim3A_52 : vector<2048x1xf32> to vector<2048x2xf32>
    %sub3A_53 = arith.subf %get3A_50, %sub3A : vector<2048x2xf32>
    %exp3A = math.exp %sub3A_53 : vector<2048x2xf32>
    %reduce_sum3A_54 = arith.constant dense<0.000000e+00> : vector<2048xf32>
    %reduce_sum3A_55 = vector.multi_reduction <add>, %exp3A, %reduce_sum3A_54 [1] : vector<2048x2xf32> to vector<2048xf32>
    %broadcast_in_dim3A_56 = vector.shape_cast %reduce_sum3A_55 : vector<2048xf32> to vector<2048x1xf32>
    %div3A = vector.broadcast %broadcast_in_dim3A_56 : vector<2048x1xf32> to vector<2048x2xf32>
    %div3A_57 = arith.divf %exp3A, %div3A : vector<2048x2xf32>
    %slice3A_58 = vector.extract_strided_slice %div3A_57 {offsets = [0, 0], sizes = [2048, 1], strides = [1, 1]} : vector<2048x2xf32> to vector<2048x1xf32>
    %mul3A_59 = vector.broadcast %slice3A_58 : vector<2048x1xf32> to vector<2048x768xf32>
    %mul3A_60 = arith.mulf %slice3A, %mul3A_59 : vector<2048x768xf32>
    %slice3A_61 = vector.extract_strided_slice %div3A_57 {offsets = [0, 1], sizes = [2048, 1], strides = [1, 1]} : vector<2048x2xf32> to vector<2048x1xf32>
    %mul3A_62 = vector.broadcast %slice3A_61 : vector<2048x1xf32> to vector<2048x768xf32>
    %mul3A_63 = arith.mulf %slice3A_2, %mul3A_62 : vector<2048x768xf32>
    %add3A_64 = arith.addf %mul3A_60, %mul3A_63 : vector<2048x768xf32>
    %get3A_65 = arith.constant 0 : index
    %get3A_66 = arith.constant 0 : index
    %get3A_67 = vector.load %arg6[%get3A_65, %get3A_66] : memref<768x768xf32, #tpu.memory_space<vmem>>, vector<768x768xf32>
    %dot_general3A_68 = arith.constant dense<0.000000e+00> : vector<2048x768xf32>
    %dot_general3A_69 = tpu.matmul %add3A_64, %get3A_67, %dot_general3A_68 {dimension_numbers = #tpu.dot_dimension_numbers<[1], [0], [0], [1], [0, 0, 1, 1], [], []>, transpose_lhs_hint = false} : vector<2048x768xf32>, vector<768x768xf32>, vector<2048x768xf32> -> vector<2048x768xf32>
    %get3A_70 = arith.constant 0 : index
    %get3A_71 = arith.constant 0 : index
    %get3A_72 = vector.load %arg7[%get3A_70, %get3A_71] : memref<1x768xf32, #tpu.memory_space<vmem>>, vector<1x768xf32>
    %add3A_73 = vector.broadcast %get3A_72 : vector<1x768xf32> to vector<2048x768xf32>
    %add3A_74 = arith.addf %dot_general3A_69, %add3A_73 : vector<2048x768xf32>
    %get3A_75 = arith.constant 0 : index
    %get3A_76 = arith.constant 0 : index
    %get3A_77 = vector.load %arg8[%get3A_75, %get3A_76] : memref<1x768xf32, #tpu.memory_space<vmem>>, vector<1x768xf32>
    %get3A_78 = arith.constant 0 : index
    %get3A_79 = arith.constant 0 : index
    %get3A_80 = vector.load %arg9[%get3A_78, %get3A_79] : memref<1x768xf32, #tpu.memory_space<vmem>>, vector<1x768xf32>
    %reduce_sum3A_81 = arith.constant dense<0.000000e+00> : vector<2048xf32>
    %reduce_sum3A_82 = vector.multi_reduction <add>, %add3A_74, %reduce_sum3A_81 [1] : vector<2048x768xf32> to vector<2048xf32>
    %broadcast_in_dim3A_83 = vector.shape_cast %reduce_sum3A_82 : vector<2048xf32> to vector<2048x1xf32>
    %div3A_84 = arith.constant 7.680000e+02 : f32
    %div3A_85 = vector.broadcast %div3A_84 : f32 to vector<2048x1xf32>
    %div3A_86 = arith.divf %broadcast_in_dim3A_83, %div3A_85 : vector<2048x1xf32>
    %jit3A = arith.constant 0 : i32
    %reduce_sum3A_87 = arith.constant dense<0.000000e+00> : vector<2048xf32>
    %reduce_sum3A_88 = vector.multi_reduction <add>, %add3A_74, %reduce_sum3A_87 [1] : vector<2048x768xf32> to vector<2048xf32>
    %broadcast_in_dim3A_89 = vector.shape_cast %reduce_sum3A_88 : vector<2048xf32> to vector<2048x1xf32>
    %div3A_90 = arith.constant 7.680000e+02 : f32
    %div3A_91 = vector.broadcast %div3A_90 : f32 to vector<2048x1xf32>
    %div3A_92 = arith.divf %broadcast_in_dim3A_89, %div3A_91 : vector<2048x1xf32>
    %sub3A_93 = vector.broadcast %div3A_92 : vector<2048x1xf32> to vector<2048x768xf32>
    %sub3A_94 = arith.subf %add3A_74, %sub3A_93 : vector<2048x768xf32>
    %square3A = arith.mulf %sub3A_94, %sub3A_94 : vector<2048x768xf32>
    %convert_element_type3A_95 = arith.sitofp %jit3A : i32 to f32
    %sub3A_96 = arith.constant 7.680000e+02 : f32
    %sub3A_97 = arith.subf %sub3A_96, %convert_element_type3A_95 : f32
    %reduce_sum3A_98 = arith.constant dense<0.000000e+00> : vector<2048xf32>
    %reduce_sum3A_99 = vector.multi_reduction <add>, %square3A, %reduce_sum3A_98 [1] : vector<2048x768xf32> to vector<2048xf32>
    %broadcast_in_dim3A_100 = vector.shape_cast %reduce_sum3A_99 : vector<2048xf32> to vector<2048x1xf32>
    %div3A_101 = vector.broadcast %sub3A_97 : f32 to vector<2048x1xf32>
    %div3A_102 = arith.divf %broadcast_in_dim3A_100, %div3A_101 : vector<2048x1xf32>
    %gt3A = arith.constant 0.000000e+00 : f32
    %gt3A_103 = arith.cmpf ogt, %sub3A_97, %gt3A : f32
    %jit3A_104 = arith.constant 0x7FC00000 : f32
    %broadcast_in_dim3A_105 = vector.broadcast %jit3A_104 : f32 to vector<2048x1xf32>
    %select_n3A = arith.select %gt3A_103, %div3A_102, %broadcast_in_dim3A_105 : vector<2048x1xf32>
    %sub3A_106 = vector.broadcast %div3A_86 : vector<2048x1xf32> to vector<2048x768xf32>
    %sub3A_107 = arith.subf %add3A_74, %sub3A_106 : vector<2048x768xf32>
    %add3A_108 = arith.constant 9.99999974E-6 : f32
    %add3A_109 = vector.broadcast %add3A_108 : f32 to vector<2048x1xf32>
    %add3A_110 = arith.addf %select_n3A, %add3A_109 : vector<2048x1xf32>
    %sqrt3A = math.sqrt %add3A_110 : vector<2048x1xf32>
    %div3A_111 = vector.broadcast %sqrt3A : vector<2048x1xf32> to vector<2048x768xf32>
    %div3A_112 = arith.divf %sub3A_107, %div3A_111 : vector<2048x768xf32>
    %mul3A_113 = vector.broadcast %get3A_77 : vector<1x768xf32> to vector<2048x768xf32>
    %mul3A_114 = arith.mulf %div3A_112, %mul3A_113 : vector<2048x768xf32>
    %add3A_115 = vector.broadcast %get3A_80 : vector<1x768xf32> to vector<2048x768xf32>
    %add3A_116 = arith.addf %mul3A_114, %add3A_115 : vector<2048x768xf32>
    %div3A_117 = arith.constant 1.41421354 : f32
    %div3A_118 = vector.broadcast %div3A_117 : f32 to vector<2048x768xf32>
    %div3A_119 = arith.divf %add3A_116, %div3A_118 : vector<2048x768xf32>
    %erf3A = math.erf %div3A_119 : vector<2048x768xf32>
    %add3A_120 = arith.constant 1.000000e+00 : f32
    %add3A_121 = vector.broadcast %add3A_120 : f32 to vector<2048x768xf32>
    %add3A_122 = arith.addf %erf3A, %add3A_121 : vector<2048x768xf32>
    %mul3A_123 = arith.mulf %add3A_116, %add3A_122 : vector<2048x768xf32>
    %div3A_124 = arith.constant 2.000000e+00 : f32
    %div3A_125 = vector.broadcast %div3A_124 : f32 to vector<2048x768xf32>
    %div3A_126 = arith.divf %mul3A_123, %div3A_125 : vector<2048x768xf32>
    %swap3A_127 = arith.constant 0 : index
    %swap3A_128 = arith.constant 0 : index
    %swap3A_129 = vector.load %arg15[%swap3A_127, %swap3A_128] : memref<2048x768xf32, #tpu.memory_space<vmem>>, vector<2048x768xf32>
    tpu.vector_store %arg15[%swap3A_127, %swap3A_128], %div3A_126 {strides = array<i32>} : memref<2048x768xf32, #tpu.memory_space<vmem>>, vector<2048x768xf32>,
    %get3A_130 = arith.constant 0 : index
    %get3A_131 = arith.constant 0 : index
    %get3A_132 = vector.load %arg10[%get3A_130, %get3A_131] : memref<768x8xf32, #tpu.memory_space<vmem>>, vector<768x8xf32>
    %dot_general3A_133 = arith.constant dense<0.000000e+00> : vector<2048x8xf32>
    %dot_general3A_134 = tpu.matmul %div3A_126, %get3A_132, %dot_general3A_133 {dimension_numbers = #tpu.dot_dimension_numbers<[1], [0], [0], [1], [0, 0, 1, 1], [], []>, transpose_lhs_hint = false} : vector<2048x768xf32>, vector<768x8xf32>, vector<2048x8xf32> -> vector<2048x8xf32>
    %get3A_135 = arith.constant 0 : index
    %get3A_136 = arith.constant 0 : index
    %get3A_137 = vector.load %arg11[%get3A_135, %get3A_136] : memref<1x8xf32, #tpu.memory_space<vmem>>, vector<1x8xf32>
    %add3A_138 = vector.broadcast %get3A_137 : vector<1x8xf32> to vector<2048x8xf32>
    %add3A_139 = arith.addf %dot_general3A_134, %add3A_138 : vector<2048x8xf32>
    %reduce_max3A_140 = arith.constant dense<0xFF800000> : vector<2048xf32>
    %reduce_max3A_141 = vector.multi_reduction <maximumf>, %add3A_139, %reduce_max3A_140 [1] : vector<2048x8xf32> to vector<2048xf32>
    %broadcast_in_dim3A_142 = vector.shape_cast %reduce_max3A_141 : vector<2048xf32> to vector<2048x1xf32>
    %sub3A_143 = vector.broadcast %broadcast_in_dim3A_142 : vector<2048x1xf32> to vector<2048x8xf32>
    %sub3A_144 = arith.subf %add3A_139, %sub3A_143 : vector<2048x8xf32>
    %exp3A_145 = math.exp %sub3A_144 : vector<2048x8xf32>
    %reduce_sum3A_146 = arith.constant dense<0.000000e+00> : vector<2048xf32>
    %reduce_sum3A_147 = vector.multi_reduction <add>, %exp3A_145, %reduce_sum3A_146 [1] : vector<2048x8xf32> to vector<2048xf32>
    %broadcast_in_dim3A_148 = vector.shape_cast %reduce_sum3A_147 : vector<2048xf32> to vector<2048x1xf32>
    %div3A_149 = vector.broadcast %broadcast_in_dim3A_148 : vector<2048x1xf32> to vector<2048x8xf32>
    %div3A_150 = arith.divf %exp3A_145, %div3A_149 : vector<2048x8xf32>
    %reduce_max3A_151 = arith.constant dense<0xFF800000> : vector<2048xf32>
    %reduce_max3A_152 = vector.multi_reduction <maximumf>, %div3A_150, %reduce_max3A_151 [1] : vector<2048x8xf32> to vector<2048xf32>
    %broadcast_in_dim3A_153 = vector.shape_cast %reduce_max3A_152 : vector<2048xf32> to vector<2048x1xf32>
    %iota3A = tpu.iota {dimensions = array<i32: 1>} : vector<2048x8xi32>
    %ge3A = vector.broadcast %broadcast_in_dim3A_153 : vector<2048x1xf32> to vector<2048x8xf32>
    %ge3A_154 = arith.cmpf oge, %div3A_150, %ge3A : vector<2048x8xf32>
    %jit3A_155 = arith.constant 9 : i32
    %broadcast_in_dim3A_156 = vector.broadcast %jit3A_155 : i32 to vector<2048x8xi32>
    %select_n3A_157 = arith.select %ge3A_154, %iota3A, %broadcast_in_dim3A_156 : vector<2048x8xi1>, vector<2048x8xi32>
    %reduce_min3A = arith.constant dense<2147483647> : vector<2048xi32>
    %reduce_min3A_158 = vector.multi_reduction <minsi>, %select_n3A_157, %reduce_min3A [1] : vector<2048x8xi32> to vector<2048xi32>
    %broadcast_in_dim3A_159 = vector.shape_cast %reduce_min3A_158 : vector<2048xi32> to vector<2048x1xi32>
    %swap3A_160 = arith.constant 0 : index
    %swap3A_161 = arith.constant 0 : index
    %swap3A_162 = vector.load %arg16[%swap3A_160, %swap3A_161] : memref<2048x1xf32, #tpu.memory_space<vmem>>, vector<2048x1xf32>
    tpu.vector_store %arg16[%swap3A_160, %swap3A_161], %broadcast_in_dim3A_153 {strides = array<i32>} : memref<2048x1xf32, #tpu.memory_space<vmem>>, vector<2048x1xf32>,
    %eq3A = vector.broadcast %broadcast_in_dim3A_159 : vector<2048x1xi32> to vector<2048x8xi32>
    %eq3A_163 = arith.cmpi eq, %iota3A, %eq3A : vector<2048x8xi32>
    %convert_element_type3A_164 = arith.extui %eq3A_163 : vector<2048x8xi1> to vector<2048x8xi32>
    %convert_element_type3A_165 = arith.sitofp %convert_element_type3A_164 : vector<2048x8xi32> to vector<2048x8xf32>
    %reduce_sum3A_166 = arith.constant dense<0.000000e+00> : vector<8xf32>
    %reduce_sum3A_167 = vector.multi_reduction <add>, %convert_element_type3A_165, %reduce_sum3A_166 [0] : vector<2048x8xf32> to vector<8xf32>
    %broadcast_in_dim3A_168 = vector.shape_cast %reduce_sum3A_167 : vector<8xf32> to vector<1x8xf32>
    %mul3A_169 = arith.constant 3.906250e-03 : f32
    %mul3A_170 = vector.broadcast %mul3A_169 : f32 to vector<1x8xf32>
    %mul3A_171 = arith.mulf %broadcast_in_dim3A_168, %mul3A_170 : vector<1x8xf32>
    %ceil3A = math.ceil %mul3A_171 : vector<1x8xf32>
    %mul3A_172 = arith.constant 2.560000e+02 : f32
    %mul3A_173 = vector.broadcast %mul3A_172 : f32 to vector<1x8xf32>
    %mul3A_174 = arith.mulf %ceil3A, %mul3A_173 : vector<1x8xf32>
    %iota3A_175 = tpu.iota {dimensions = array<i32: 0>} : vector<8x8xi32>
    %iota3A_176 = tpu.iota {dimensions = array<i32: 1>} : vector<8x8xi32>
    %gt3A_177 = arith.cmpi sgt, %iota3A_175, %iota3A_176 : vector<8x8xi32>
    %convert_element_type3A_178 = arith.extui %gt3A_177 : vector<8x8xi1> to vector<8x8xi32>
    %convert_element_type3A_179 = arith.sitofp %convert_element_type3A_178 : vector<8x8xi32> to vector<8x8xf32>
    %dot_general3A_180 = arith.constant dense<0.000000e+00> : vector<1x8xf32>
    %dot_general3A_181 = tpu.matmul %mul3A_174, %convert_element_type3A_179, %dot_general3A_180 {dimension_numbers = #tpu.dot_dimension_numbers<[1], [0], [0], [1], [0, 0, 1, 1], [], []>, transpose_lhs_hint = false} : vector<1x8xf32>, vector<8x8xf32>, vector<1x8xf32> -> vector<1x8xf32>
    %iota3A_182 = tpu.iota {dimensions = array<i32: 0>} : vector<128x128xi32>
    %iota3A_183 = tpu.iota {dimensions = array<i32: 1>} : vector<128x128xi32>
    %lt3A = arith.cmpi slt, %iota3A_183, %iota3A_182 : vector<128x128xi32>
    %convert_element_type3A_184 = arith.extui %lt3A : vector<128x128xi1> to vector<128x128xi32>
    %convert_element_type3A_185 = arith.sitofp %convert_element_type3A_184 : vector<128x128xi32> to vector<128x128xf32>
    %broadcast_in_dim3A_186 = arith.constant 0.000000e+00 : f32
    %broadcast_in_dim3A_187 = vector.broadcast %broadcast_in_dim3A_186 : f32 to vector<1x8xf32>
    %slice3A_188 = vector.extract_strided_slice %convert_element_type3A_165 {offsets = [0, 0], sizes = [128, 8], strides = [1, 1]} : vector<2048x8xf32> to vector<128x8xf32>
    %dot_general3A_189 = arith.constant dense<0.000000e+00> : vector<128x8xf32>
    %dot_general3A_190 = tpu.matmul %convert_element_type3A_185, %slice3A_188, %dot_general3A_189 {dimension_numbers = #tpu.dot_dimension_numbers<[1], [0], [0], [1], [0, 0, 1, 1], [], []>, transpose_lhs_hint = false} : vector<128x128xf32>, vector<128x8xf32>, vector<128x8xf32> -> vector<128x8xf32>
    %add3A_191 = vector.broadcast %broadcast_in_dim3A_187 : vector<1x8xf32> to vector<128x8xf32>
    %add3A_192 = arith.addf %dot_general3A_190, %add3A_191 : vector<128x8xf32>
    %add3A_193 = vector.broadcast %dot_general3A_181 : vector<1x8xf32> to vector<128x8xf32>
    %add3A_194 = arith.addf %add3A_192, %add3A_193 : vector<128x8xf32>
    %mul3A_195 = arith.mulf %add3A_194, %slice3A_188 : vector<128x8xf32>
    %reduce_sum3A_196 = arith.constant dense<0.000000e+00> : vector<128xf32>
    %reduce_sum3A_197 = vector.multi_reduction <add>, %mul3A_195, %reduce_sum3A_196 [1] : vector<128x8xf32> to vector<128xf32>
    %broadcast_in_dim3A_198 = vector.shape_cast %reduce_sum3A_197 : vector<128xf32> to vector<128x1xf32>
    %reduce_sum3A_199 = arith.constant dense<0.000000e+00> : vector<8xf32>
    %reduce_sum3A_200 = vector.multi_reduction <add>, %slice3A_188, %reduce_sum3A_199 [0] : vector<128x8xf32> to vector<8xf32>
    %broadcast_in_dim3A_201 = vector.shape_cast %reduce_sum3A_200 : vector<8xf32> to vector<1x8xf32>
    %add3A_202 = arith.addf %broadcast_in_dim3A_187, %broadcast_in_dim3A_201 : vector<1x8xf32>
    %slice3A_203 = vector.extract_strided_slice %convert_element_type3A_165 {offsets = [128, 0], sizes = [128, 8], strides = [1, 1]} : vector<2048x8xf32> to vector<128x8xf32>
    %dot_general3A_204 = arith.constant dense<0.000000e+00> : vector<128x8xf32>
    %dot_general3A_205 = tpu.matmul %convert_element_type3A_185, %slice3A_203, %dot_general3A_204 {dimension_numbers = #tpu.dot_dimension_numbers<[1], [0], [0], [1], [0, 0, 1, 1], [], []>, transpose_lhs_hint = false} : vector<128x128xf32>, vector<128x8xf32>, vector<128x8xf32> -> vector<128x8xf32>
    %add3A_206 = vector.broadcast %add3A_202 : vector<1x8xf32> to vector<128x8xf32>
    %add3A_207 = arith.addf %dot_general3A_205, %add3A_206 : vector<128x8xf32>
    %add3A_208 = vector.broadcast %dot_general3A_181 : vector<1x8xf32> to vector<128x8xf32>
    %add3A_209 = arith.addf %add3A_207, %add3A_208 : vector<128x8xf32>
    %mul3A_210 = arith.mulf %add3A_209, %slice3A_203 : vector<128x8xf32>
    %reduce_sum3A_211 = arith.constant dense<0.000000e+00> : vector<128xf32>
    %reduce_sum3A_212 = vector.multi_reduction <add>, %mul3A_210, %reduce_sum3A_211 [1] : vector<128x8xf32> to vector<128xf32>
    %broadcast_in_dim3A_213 = vector.shape_cast %reduce_sum3A_212 : vector<128xf32> to vector<128x1xf32>
    %reduce_sum3A_214 = arith.constant dense<0.000000e+00> : vector<8xf32>
    %reduce_sum3A_215 = vector.multi_reduction <add>, %slice3A_203, %reduce_sum3A_214 [0] : vector<128x8xf32> to vector<8xf32>
    %broadcast_in_dim3A_216 = vector.shape_cast %reduce_sum3A_215 : vector<8xf32> to vector<1x8xf32>
    %add3A_217 = arith.addf %add3A_202, %broadcast_in_dim3A_216 : vector<1x8xf32>
    %slice3A_218 = vector.extract_strided_slice %convert_element_type3A_165 {offsets = [256, 0], sizes = [128, 8], strides = [1, 1]} : vector<2048x8xf32> to vector<128x8xf32>
    %dot_general3A_219 = arith.constant dense<0.000000e+00> : vector<128x8xf32>
    %dot_general3A_220 = tpu.matmul %convert_element_type3A_185, %slice3A_218, %dot_general3A_219 {dimension_numbers = #tpu.dot_dimension_numbers<[1], [0], [0], [1], [0, 0, 1, 1], [], []>, transpose_lhs_hint = false} : vector<128x128xf32>, vector<128x8xf32>, vector<128x8xf32> -> vector<128x8xf32>
    %add3A_221 = vector.broadcast %add3A_217 : vector<1x8xf32> to vector<128x8xf32>
    %add3A_222 = arith.addf %dot_general3A_220, %add3A_221 : vector<128x8xf32>
    %add3A_223 = vector.broadcast %dot_general3A_181 : vector<1x8xf32> to vector<128x8xf32>
    %add3A_224 = arith.addf %add3A_222, %add3A_223 : vector<128x8xf32>
    %mul3A_225 = arith.mulf %add3A_224, %slice3A_218 : vector<128x8xf32>
    %reduce_sum3A_226 = arith.constant dense<0.000000e+00> : vector<128xf32>
    %reduce_sum3A_227 = vector.multi_reduction <add>, %mul3A_225, %reduce_sum3A_226 [1] : vector<128x8xf32> to vector<128xf32>
    %broadcast_in_dim3A_228 = vector.shape_cast %reduce_sum3A_227 : vector<128xf32> to vector<128x1xf32>
    %reduce_sum3A_229 = arith.constant dense<0.000000e+00> : vector<8xf32>
    %reduce_sum3A_230 = vector.multi_reduction <add>, %slice3A_218, %reduce_sum3A_229 [0] : vector<128x8xf32> to vector<8xf32>
    %broadcast_in_dim3A_231 = vector.shape_cast %reduce_sum3A_230 : vector<8xf32> to vector<1x8xf32>
    %add3A_232 = arith.addf %add3A_217, %broadcast_in_dim3A_231 : vector<1x8xf32>
    %slice3A_233 = vector.extract_strided_slice %convert_element_type3A_165 {offsets = [384, 0], sizes = [128, 8], strides = [1, 1]} : vector<2048x8xf32> to vector<128x8xf32>
    %dot_general3A_234 = arith.constant dense<0.000000e+00> : vector<128x8xf32>
    %dot_general3A_235 = tpu.matmul %convert_element_type3A_185, %slice3A_233, %dot_general3A_234 {dimension_numbers = #tpu.dot_dimension_numbers<[1], [0], [0], [1], [0, 0, 1, 1], [], []>, transpose_lhs_hint = false} : vector<128x128xf32>, vector<128x8xf32>, vector<128x8xf32> -> vector<128x8xf32>
    %add3A_236 = vector.broadcast %add3A_232 : vector<1x8xf32> to vector<128x8xf32>
    %add3A_237 = arith.addf %dot_general3A_235, %add3A_236 : vector<128x8xf32>
    %add3A_238 = vector.broadcast %dot_general3A_181 : vector<1x8xf32> to vector<128x8xf32>
    %add3A_239 = arith.addf %add3A_237, %add3A_238 : vector<128x8xf32>
    %mul3A_240 = arith.mulf %add3A_239, %slice3A_233 : vector<128x8xf32>
    %reduce_sum3A_241 = arith.constant dense<0.000000e+00> : vector<128xf32>
    %reduce_sum3A_242 = vector.multi_reduction <add>, %mul3A_240, %reduce_sum3A_241 [1] : vector<128x8xf32> to vector<128xf32>
    %broadcast_in_dim3A_243 = vector.shape_cast %reduce_sum3A_242 : vector<128xf32> to vector<128x1xf32>
    %reduce_sum3A_244 = arith.constant dense<0.000000e+00> : vector<8xf32>
    %reduce_sum3A_245 = vector.multi_reduction <add>, %slice3A_233, %reduce_sum3A_244 [0] : vector<128x8xf32> to vector<8xf32>
    %broadcast_in_dim3A_246 = vector.shape_cast %reduce_sum3A_245 : vector<8xf32> to vector<1x8xf32>
    %add3A_247 = arith.addf %add3A_232, %broadcast_in_dim3A_246 : vector<1x8xf32>
    %slice3A_248 = vector.extract_strided_slice %convert_element_type3A_165 {offsets = [512, 0], sizes = [128, 8], strides = [1, 1]} : vector<2048x8xf32> to vector<128x8xf32>
    %dot_general3A_249 = arith.constant dense<0.000000e+00> : vector<128x8xf32>
    %dot_general3A_250 = tpu.matmul %convert_element_type3A_185, %slice3A_248, %dot_general3A_249 {dimension_numbers = #tpu.dot_dimension_numbers<[1], [0], [0], [1], [0, 0, 1, 1], [], []>, transpose_lhs_hint = false} : vector<128x128xf32>, vector<128x8xf32>, vector<128x8xf32> -> vector<128x8xf32>
    %add3A_251 = vector.broadcast %add3A_247 : vector<1x8xf32> to vector<128x8xf32>
    %add3A_252 = arith.addf %dot_general3A_250, %add3A_251 : vector<128x8xf32>
    %add3A_253 = vector.broadcast %dot_general3A_181 : vector<1x8xf32> to vector<128x8xf32>
    %add3A_254 = arith.addf %add3A_252, %add3A_253 : vector<128x8xf32>
    %mul3A_255 = arith.mulf %add3A_254, %slice3A_248 : vector<128x8xf32>
    %reduce_sum3A_256 = arith.constant dense<0.000000e+00> : vector<128xf32>
    %reduce_sum3A_257 = vector.multi_reduction <add>, %mul3A_255, %reduce_sum3A_256 [1] : vector<128x8xf32> to vector<128xf32>
    %broadcast_in_dim3A_258 = vector.shape_cast %reduce_sum3A_257 : vector<128xf32> to vector<128x1xf32>
    %reduce_sum3A_259 = arith.constant dense<0.000000e+00> : vector<8xf32>
    %reduce_sum3A_260 = vector.multi_reduction <add>, %slice3A_248, %reduce_sum3A_259 [0] : vector<128x8xf32> to vector<8xf32>
    %broadcast_in_dim3A_261 = vector.shape_cast %reduce_sum3A_260 : vector<8xf32> to vector<1x8xf32>
    %add3A_262 = arith.addf %add3A_247, %broadcast_in_dim3A_261 : vector<1x8xf32>
    %slice3A_263 = vector.extract_strided_slice %convert_element_type3A_165 {offsets = [640, 0], sizes = [128, 8], strides = [1, 1]} : vector<2048x8xf32> to vector<128x8xf32>
    %dot_general3A_264 = arith.constant dense<0.000000e+00> : vector<128x8xf32>
    %dot_general3A_265 = tpu.matmul %convert_element_type3A_185, %slice3A_263, %dot_general3A_264 {dimension_numbers = #tpu.dot_dimension_numbers<[1], [0], [0], [1], [0, 0, 1, 1], [], []>, transpose_lhs_hint = false} : vector<128x128xf32>, vector<128x8xf32>, vector<128x8xf32> -> vector<128x8xf32>
    %add3A_266 = vector.broadcast %add3A_262 : vector<1x8xf32> to vector<128x8xf32>
    %add3A_267 = arith.addf %dot_general3A_265, %add3A_266 : vector<128x8xf32>
    %add3A_268 = vector.broadcast %dot_general3A_181 : vector<1x8xf32> to vector<128x8xf32>
    %add3A_269 = arith.addf %add3A_267, %add3A_268 : vector<128x8xf32>
    %mul3A_270 = arith.mulf %add3A_269, %slice3A_263 : vector<128x8xf32>
    %reduce_sum3A_271 = arith.constant dense<0.000000e+00> : vector<128xf32>
    %reduce_sum3A_272 = vector.multi_reduction <add>, %mul3A_270, %reduce_sum3A_271 [1] : vector<128x8xf32> to vector<128xf32>
    %broadcast_in_dim3A_273 = vector.shape_cast %reduce_sum3A_272 : vector<128xf32> to vector<128x1xf32>
    %reduce_sum3A_274 = arith.constant dense<0.000000e+00> : vector<8xf32>
    %reduce_sum3A_275 = vector.multi_reduction <add>, %slice3A_263, %reduce_sum3A_274 [0] : vector<128x8xf32> to vector<8xf32>
    %broadcast_in_dim3A_276 = vector.shape_cast %reduce_sum3A_275 : vector<8xf32> to vector<1x8xf32>
    %add3A_277 = arith.addf %add3A_262, %broadcast_in_dim3A_276 : vector<1x8xf32>
    %slice3A_278 = vector.extract_strided_slice %convert_element_type3A_165 {offsets = [768, 0], sizes = [128, 8], strides = [1, 1]} : vector<2048x8xf32> to vector<128x8xf32>
    %dot_general3A_279 = arith.constant dense<0.000000e+00> : vector<128x8xf32>
    %dot_general3A_280 = tpu.matmul %convert_element_type3A_185, %slice3A_278, %dot_general3A_279 {dimension_numbers = #tpu.dot_dimension_numbers<[1], [0], [0], [1], [0, 0, 1, 1], [], []>, transpose_lhs_hint = false} : vector<128x128xf32>, vector<128x8xf32>, vector<128x8xf32> -> vector<128x8xf32>
    %add3A_281 = vector.broadcast %add3A_277 : vector<1x8xf32> to vector<128x8xf32>
    %add3A_282 = arith.addf %dot_general3A_280, %add3A_281 : vector<128x8xf32>
    %add3A_283 = vector.broadcast %dot_general3A_181 : vector<1x8xf32> to vector<128x8xf32>
    %add3A_284 = arith.addf %add3A_282, %add3A_283 : vector<128x8xf32>
    %mul3A_285 = arith.mulf %add3A_284, %slice3A_278 : vector<128x8xf32>
    %reduce_sum3A_286 = arith.constant dense<0.000000e+00> : vector<128xf32>
    %reduce_sum3A_287 = vector.multi_reduction <add>, %mul3A_285, %reduce_sum3A_286 [1] : vector<128x8xf32> to vector<128xf32>
    %broadcast_in_dim3A_288 = vector.shape_cast %reduce_sum3A_287 : vector<128xf32> to vector<128x1xf32>
    %reduce_sum3A_289 = arith.constant dense<0.000000e+00> : vector<8xf32>
    %reduce_sum3A_290 = vector.multi_reduction <add>, %slice3A_278, %reduce_sum3A_289 [0] : vector<128x8xf32> to vector<8xf32>
    %broadcast_in_dim3A_291 = vector.shape_cast %reduce_sum3A_290 : vector<8xf32> to vector<1x8xf32>
    %add3A_292 = arith.addf %add3A_277, %broadcast_in_dim3A_291 : vector<1x8xf32>
    %slice3A_293 = vector.extract_strided_slice %convert_element_type3A_165 {offsets = [896, 0], sizes = [128, 8], strides = [1, 1]} : vector<2048x8xf32> to vector<128x8xf32>
    %dot_general3A_294 = arith.constant dense<0.000000e+00> : vector<128x8xf32>
    %dot_general3A_295 = tpu.matmul %convert_element_type3A_185, %slice3A_293, %dot_general3A_294 {dimension_numbers = #tpu.dot_dimension_numbers<[1], [0], [0], [1], [0, 0, 1, 1], [], []>, transpose_lhs_hint = false} : vector<128x128xf32>, vector<128x8xf32>, vector<128x8xf32> -> vector<128x8xf32>
    %add3A_296 = vector.broadcast %add3A_292 : vector<1x8xf32> to vector<128x8xf32>
    %add3A_297 = arith.addf %dot_general3A_295, %add3A_296 : vector<128x8xf32>
    %add3A_298 = vector.broadcast %dot_general3A_181 : vector<1x8xf32> to vector<128x8xf32>
    %add3A_299 = arith.addf %add3A_297, %add3A_298 : vector<128x8xf32>
    %mul3A_300 = arith.mulf %add3A_299, %slice3A_293 : vector<128x8xf32>
    %reduce_sum3A_301 = arith.constant dense<0.000000e+00> : vector<128xf32>
    %reduce_sum3A_302 = vector.multi_reduction <add>, %mul3A_300, %reduce_sum3A_301 [1] : vector<128x8xf32> to vector<128xf32>
    %broadcast_in_dim3A_303 = vector.shape_cast %reduce_sum3A_302 : vector<128xf32> to vector<128x1xf32>
    %reduce_sum3A_304 = arith.constant dense<0.000000e+00> : vector<8xf32>
    %reduce_sum3A_305 = vector.multi_reduction <add>, %slice3A_293, %reduce_sum3A_304 [0] : vector<128x8xf32> to vector<8xf32>
    %broadcast_in_dim3A_306 = vector.shape_cast %reduce_sum3A_305 : vector<8xf32> to vector<1x8xf32>
    %add3A_307 = arith.addf %add3A_292, %broadcast_in_dim3A_306 : vector<1x8xf32>
    %slice3A_308 = vector.extract_strided_slice %convert_element_type3A_165 {offsets = [1024, 0], sizes = [128, 8], strides = [1, 1]} : vector<2048x8xf32> to vector<128x8xf32>
    %dot_general3A_309 = arith.constant dense<0.000000e+00> : vector<128x8xf32>
    %dot_general3A_310 = tpu.matmul %convert_element_type3A_185, %slice3A_308, %dot_general3A_309 {dimension_numbers = #tpu.dot_dimension_numbers<[1], [0], [0], [1], [0, 0, 1, 1], [], []>, transpose_lhs_hint = false} : vector<128x128xf32>, vector<128x8xf32>, vector<128x8xf32> -> vector<128x8xf32>
    %add3A_311 = vector.broadcast %add3A_307 : vector<1x8xf32> to vector<128x8xf32>
    %add3A_312 = arith.addf %dot_general3A_310, %add3A_311 : vector<128x8xf32>
    %add3A_313 = vector.broadcast %dot_general3A_181 : vector<1x8xf32> to vector<128x8xf32>
    %add3A_314 = arith.addf %add3A_312, %add3A_313 : vector<128x8xf32>
    %mul3A_315 = arith.mulf %add3A_314, %slice3A_308 : vector<128x8xf32>
    %reduce_sum3A_316 = arith.constant dense<0.000000e+00> : vector<128xf32>
    %reduce_sum3A_317 = vector.multi_reduction <add>, %mul3A_315, %reduce_sum3A_316 [1] : vector<128x8xf32> to vector<128xf32>
    %broadcast_in_dim3A_318 = vector.shape_cast %reduce_sum3A_317 : vector<128xf32> to vector<128x1xf32>
    %reduce_sum3A_319 = arith.constant dense<0.000000e+00> : vector<8xf32>
    %reduce_sum3A_320 = vector.multi_reduction <add>, %slice3A_308, %reduce_sum3A_319 [0] : vector<128x8xf32> to vector<8xf32>
    %broadcast_in_dim3A_321 = vector.shape_cast %reduce_sum3A_320 : vector<8xf32> to vector<1x8xf32>
    %add3A_322 = arith.addf %add3A_307, %broadcast_in_dim3A_321 : vector<1x8xf32>
    %slice3A_323 = vector.extract_strided_slice %convert_element_type3A_165 {offsets = [1152, 0], sizes = [128, 8], strides = [1, 1]} : vector<2048x8xf32> to vector<128x8xf32>
    %dot_general3A_324 = arith.constant dense<0.000000e+00> : vector<128x8xf32>
    %dot_general3A_325 = tpu.matmul %convert_element_type3A_185, %slice3A_323, %dot_general3A_324 {dimension_numbers = #tpu.dot_dimension_numbers<[1], [0], [0], [1], [0, 0, 1, 1], [], []>, transpose_lhs_hint = false} : vector<128x128xf32>, vector<128x8xf32>, vector<128x8xf32> -> vector<128x8xf32>
    %add3A_326 = vector.broadcast %add3A_322 : vector<1x8xf32> to vector<128x8xf32>
    %add3A_327 = arith.addf %dot_general3A_325, %add3A_326 : vector<128x8xf32>
    %add3A_328 = vector.broadcast %dot_general3A_181 : vector<1x8xf32> to vector<128x8xf32>
    %add3A_329 = arith.addf %add3A_327, %add3A_328 : vector<128x8xf32>
    %mul3A_330 = arith.mulf %add3A_329, %slice3A_323 : vector<128x8xf32>
    %reduce_sum3A_331 = arith.constant dense<0.000000e+00> : vector<128xf32>
    %reduce_sum3A_332 = vector.multi_reduction <add>, %mul3A_330, %reduce_sum3A_331 [1] : vector<128x8xf32> to vector<128xf32>
    %broadcast_in_dim3A_333 = vector.shape_cast %reduce_sum3A_332 : vector<128xf32> to vector<128x1xf32>
    %reduce_sum3A_334 = arith.constant dense<0.000000e+00> : vector<8xf32>
    %reduce_sum3A_335 = vector.multi_reduction <add>, %slice3A_323, %reduce_sum3A_334 [0] : vector<128x8xf32> to vector<8xf32>
    %broadcast_in_dim3A_336 = vector.shape_cast %reduce_sum3A_335 : vector<8xf32> to vector<1x8xf32>
    %add3A_337 = arith.addf %add3A_322, %broadcast_in_dim3A_336 : vector<1x8xf32>
    %slice3A_338 = vector.extract_strided_slice %convert_element_type3A_165 {offsets = [1280, 0], sizes = [128, 8], strides = [1, 1]} : vector<2048x8xf32> to vector<128x8xf32>
    %dot_general3A_339 = arith.constant dense<0.000000e+00> : vector<128x8xf32>
    %dot_general3A_340 = tpu.matmul %convert_element_type3A_185, %slice3A_338, %dot_general3A_339 {dimension_numbers = #tpu.dot_dimension_numbers<[1], [0], [0], [1], [0, 0, 1, 1], [], []>, transpose_lhs_hint = false} : vector<128x128xf32>, vector<128x8xf32>, vector<128x8xf32> -> vector<128x8xf32>
    %add3A_341 = vector.broadcast %add3A_337 : vector<1x8xf32> to vector<128x8xf32>
    %add3A_342 = arith.addf %dot_general3A_340, %add3A_341 : vector<128x8xf32>
    %add3A_343 = vector.broadcast %dot_general3A_181 : vector<1x8xf32> to vector<128x8xf32>
    %add3A_344 = arith.addf %add3A_342, %add3A_343 : vector<128x8xf32>
    %mul3A_345 = arith.mulf %add3A_344, %slice3A_338 : vector<128x8xf32>
    %reduce_sum3A_346 = arith.constant dense<0.000000e+00> : vector<128xf32>
    %reduce_sum3A_347 = vector.multi_reduction <add>, %mul3A_345, %reduce_sum3A_346 [1] : vector<128x8xf32> to vector<128xf32>
    %broadcast_in_dim3A_348 = vector.shape_cast %reduce_sum3A_347 : vector<128xf32> to vector<128x1xf32>
    %reduce_sum3A_349 = arith.constant dense<0.000000e+00> : vector<8xf32>
    %reduce_sum3A_350 = vector.multi_reduction <add>, %slice3A_338, %reduce_sum3A_349 [0] : vector<128x8xf32> to vector<8xf32>
    %broadcast_in_dim3A_351 = vector.shape_cast %reduce_sum3A_350 : vector<8xf32> to vector<1x8xf32>
    %add3A_352 = arith.addf %add3A_337, %broadcast_in_dim3A_351 : vector<1x8xf32>
    %slice3A_353 = vector.extract_strided_slice %convert_element_type3A_165 {offsets = [1408, 0], sizes = [128, 8], strides = [1, 1]} : vector<2048x8xf32> to vector<128x8xf32>
    %dot_general3A_354 = arith.constant dense<0.000000e+00> : vector<128x8xf32>
    %dot_general3A_355 = tpu.matmul %convert_element_type3A_185, %slice3A_353, %dot_general3A_354 {dimension_numbers = #tpu.dot_dimension_numbers<[1], [0], [0], [1], [0, 0, 1, 1], [], []>, transpose_lhs_hint = false} : vector<128x128xf32>, vector<128x8xf32>, vector<128x8xf32> -> vector<128x8xf32>
    %add3A_356 = vector.broadcast %add3A_352 : vector<1x8xf32> to vector<128x8xf32>
    %add3A_357 = arith.addf %dot_general3A_355, %add3A_356 : vector<128x8xf32>
    %add3A_358 = vector.broadcast %dot_general3A_181 : vector<1x8xf32> to vector<128x8xf32>
    %add3A_359 = arith.addf %add3A_357, %add3A_358 : vector<128x8xf32>
    %mul3A_360 = arith.mulf %add3A_359, %slice3A_353 : vector<128x8xf32>
    %reduce_sum3A_361 = arith.constant dense<0.000000e+00> : vector<128xf32>
    %reduce_sum3A_362 = vector.multi_reduction <add>, %mul3A_360, %reduce_sum3A_361 [1] : vector<128x8xf32> to vector<128xf32>
    %broadcast_in_dim3A_363 = vector.shape_cast %reduce_sum3A_362 : vector<128xf32> to vector<128x1xf32>
    %reduce_sum3A_364 = arith.constant dense<0.000000e+00> : vector<8xf32>
    %reduce_sum3A_365 = vector.multi_reduction <add>, %slice3A_353, %reduce_sum3A_364 [0] : vector<128x8xf32> to vector<8xf32>
    %broadcast_in_dim3A_366 = vector.shape_cast %reduce_sum3A_365 : vector<8xf32> to vector<1x8xf32>
    %add3A_367 = arith.addf %add3A_352, %broadcast_in_dim3A_366 : vector<1x8xf32>
    %slice3A_368 = vector.extract_strided_slice %convert_element_type3A_165 {offsets = [1536, 0], sizes = [128, 8], strides = [1, 1]} : vector<2048x8xf32> to vector<128x8xf32>
    %dot_general3A_369 = arith.constant dense<0.000000e+00> : vector<128x8xf32>
    %dot_general3A_370 = tpu.matmul %convert_element_type3A_185, %slice3A_368, %dot_general3A_369 {dimension_numbers = #tpu.dot_dimension_numbers<[1], [0], [0], [1], [0, 0, 1, 1], [], []>, transpose_lhs_hint = false} : vector<128x128xf32>, vector<128x8xf32>, vector<128x8xf32> -> vector<128x8xf32>
    %add3A_371 = vector.broadcast %add3A_367 : vector<1x8xf32> to vector<128x8xf32>
    %add3A_372 = arith.addf %dot_general3A_370, %add3A_371 : vector<128x8xf32>
    %add3A_373 = vector.broadcast %dot_general3A_181 : vector<1x8xf32> to vector<128x8xf32>
    %add3A_374 = arith.addf %add3A_372, %add3A_373 : vector<128x8xf32>
    %mul3A_375 = arith.mulf %add3A_374, %slice3A_368 : vector<128x8xf32>
    %reduce_sum3A_376 = arith.constant dense<0.000000e+00> : vector<128xf32>
    %reduce_sum3A_377 = vector.multi_reduction <add>, %mul3A_375, %reduce_sum3A_376 [1] : vector<128x8xf32> to vector<128xf32>
    %broadcast_in_dim3A_378 = vector.shape_cast %reduce_sum3A_377 : vector<128xf32> to vector<128x1xf32>
    %reduce_sum3A_379 = arith.constant dense<0.000000e+00> : vector<8xf32>
    %reduce_sum3A_380 = vector.multi_reduction <add>, %slice3A_368, %reduce_sum3A_379 [0] : vector<128x8xf32> to vector<8xf32>
    %broadcast_in_dim3A_381 = vector.shape_cast %reduce_sum3A_380 : vector<8xf32> to vector<1x8xf32>
    %add3A_382 = arith.addf %add3A_367, %broadcast_in_dim3A_381 : vector<1x8xf32>
    %slice3A_383 = vector.extract_strided_slice %convert_element_type3A_165 {offsets = [1664, 0], sizes = [128, 8], strides = [1, 1]} : vector<2048x8xf32> to vector<128x8xf32>
    %dot_general3A_384 = arith.constant dense<0.000000e+00> : vector<128x8xf32>
    %dot_general3A_385 = tpu.matmul %convert_element_type3A_185, %slice3A_383, %dot_general3A_384 {dimension_numbers = #tpu.dot_dimension_numbers<[1], [0], [0], [1], [0, 0, 1, 1], [], []>, transpose_lhs_hint = false} : vector<128x128xf32>, vector<128x8xf32>, vector<128x8xf32> -> vector<128x8xf32>
    %add3A_386 = vector.broadcast %add3A_382 : vector<1x8xf32> to vector<128x8xf32>
    %add3A_387 = arith.addf %dot_general3A_385, %add3A_386 : vector<128x8xf32>
    %add3A_388 = vector.broadcast %dot_general3A_181 : vector<1x8xf32> to vector<128x8xf32>
    %add3A_389 = arith.addf %add3A_387, %add3A_388 : vector<128x8xf32>
    %mul3A_390 = arith.mulf %add3A_389, %slice3A_383 : vector<128x8xf32>
    %reduce_sum3A_391 = arith.constant dense<0.000000e+00> : vector<128xf32>
    %reduce_sum3A_392 = vector.multi_reduction <add>, %mul3A_390, %reduce_sum3A_391 [1] : vector<128x8xf32> to vector<128xf32>
    %broadcast_in_dim3A_393 = vector.shape_cast %reduce_sum3A_392 : vector<128xf32> to vector<128x1xf32>
    %reduce_sum3A_394 = arith.constant dense<0.000000e+00> : vector<8xf32>
    %reduce_sum3A_395 = vector.multi_reduction <add>, %slice3A_383, %reduce_sum3A_394 [0] : vector<128x8xf32> to vector<8xf32>
    %broadcast_in_dim3A_396 = vector.shape_cast %reduce_sum3A_395 : vector<8xf32> to vector<1x8xf32>
    %add3A_397 = arith.addf %add3A_382, %broadcast_in_dim3A_396 : vector<1x8xf32>
    %slice3A_398 = vector.extract_strided_slice %convert_element_type3A_165 {offsets = [1792, 0], sizes = [128, 8], strides = [1, 1]} : vector<2048x8xf32> to vector<128x8xf32>
    %dot_general3A_399 = arith.constant dense<0.000000e+00> : vector<128x8xf32>
    %dot_general3A_400 = tpu.matmul %convert_element_type3A_185, %slice3A_398, %dot_general3A_399 {dimension_numbers = #tpu.dot_dimension_numbers<[1], [0], [0], [1], [0, 0, 1, 1], [], []>, transpose_lhs_hint = false} : vector<128x128xf32>, vector<128x8xf32>, vector<128x8xf32> -> vector<128x8xf32>
    %add3A_401 = vector.broadcast %add3A_397 : vector<1x8xf32> to vector<128x8xf32>
    %add3A_402 = arith.addf %dot_general3A_400, %add3A_401 : vector<128x8xf32>
    %add3A_403 = vector.broadcast %dot_general3A_181 : vector<1x8xf32> to vector<128x8xf32>
    %add3A_404 = arith.addf %add3A_402, %add3A_403 : vector<128x8xf32>
    %mul3A_405 = arith.mulf %add3A_404, %slice3A_398 : vector<128x8xf32>
    %reduce_sum3A_406 = arith.constant dense<0.000000e+00> : vector<128xf32>
    %reduce_sum3A_407 = vector.multi_reduction <add>, %mul3A_405, %reduce_sum3A_406 [1] : vector<128x8xf32> to vector<128xf32>
    %broadcast_in_dim3A_408 = vector.shape_cast %reduce_sum3A_407 : vector<128xf32> to vector<128x1xf32>
    %reduce_sum3A_409 = arith.constant dense<0.000000e+00> : vector<8xf32>
    %reduce_sum3A_410 = vector.multi_reduction <add>, %slice3A_398, %reduce_sum3A_409 [0] : vector<128x8xf32> to vector<8xf32>
    %broadcast_in_dim3A_411 = vector.shape_cast %reduce_sum3A_410 : vector<8xf32> to vector<1x8xf32>
    %add3A_412 = arith.addf %add3A_397, %broadcast_in_dim3A_411 : vector<1x8xf32>
    %slice3A_413 = vector.extract_strided_slice %convert_element_type3A_165 {offsets = [1920, 0], sizes = [128, 8], strides = [1, 1]} : vector<2048x8xf32> to vector<128x8xf32>
    %dot_general3A_414 = arith.constant dense<0.000000e+00> : vector<128x8xf32>
    %dot_general3A_415 = tpu.matmul %convert_element_type3A_185, %slice3A_413, %dot_general3A_414 {dimension_numbers = #tpu.dot_dimension_numbers<[1], [0], [0], [1], [0, 0, 1, 1], [], []>, transpose_lhs_hint = false} : vector<128x128xf32>, vector<128x8xf32>, vector<128x8xf32> -> vector<128x8xf32>
    %add3A_416 = vector.broadcast %add3A_412 : vector<1x8xf32> to vector<128x8xf32>
    %add3A_417 = arith.addf %dot_general3A_415, %add3A_416 : vector<128x8xf32>
    %add3A_418 = vector.broadcast %dot_general3A_181 : vector<1x8xf32> to vector<128x8xf32>
    %add3A_419 = arith.addf %add3A_417, %add3A_418 : vector<128x8xf32>
    %mul3A_420 = arith.mulf %add3A_419, %slice3A_413 : vector<128x8xf32>
    %reduce_sum3A_421 = arith.constant dense<0.000000e+00> : vector<128xf32>
    %reduce_sum3A_422 = vector.multi_reduction <add>, %mul3A_420, %reduce_sum3A_421 [1] : vector<128x8xf32> to vector<128xf32>
    %broadcast_in_dim3A_423 = vector.shape_cast %reduce_sum3A_422 : vector<128xf32> to vector<128x1xf32>
    %concatenate3A_424 = tpu.concatenate %broadcast_in_dim3A_198, %broadcast_in_dim3A_213, %broadcast_in_dim3A_228, %broadcast_in_dim3A_243, %broadcast_in_dim3A_258, %broadcast_in_dim3A_273, %broadcast_in_dim3A_288, %broadcast_in_dim3A_303, %broadcast_in_dim3A_318, %broadcast_in_dim3A_333, %broadcast_in_dim3A_348, %broadcast_in_dim3A_363, %broadcast_in_dim3A_378, %broadcast_in_dim3A_393, %broadcast_in_dim3A_408, %broadcast_in_dim3A_423 in 0 : vector<128x1xf32>, vector<128x1xf32>, vector<128x1xf32>, vector<128x1xf32>, vector<128x1xf32>, vector<128x1xf32>, vector<128x1xf32>, vector<128x1xf32>, vector<128x1xf32>, vector<128x1xf32>, vector<128x1xf32>, vector<128x1xf32>, vector<128x1xf32>, vector<128x1xf32>, vector<128x1xf32>, vector<128x1xf32> -> vector<2048x1xf32>
    %convert_element_type3A_425 = arith.fptosi %concatenate3A_424 : vector<2048x1xf32> to vector<2048x1xi32>
    %swap3A_426 = arith.constant 0 : index
    %swap3A_427 = arith.constant 0 : index
    %swap3A_428 = vector.load %arg17[%swap3A_426, %swap3A_427] : memref<2048x1xi32, #tpu.memory_space<vmem>>, vector<2048x1xi32>
    tpu.vector_store %arg17[%swap3A_426, %swap3A_427], %convert_element_type3A_425 {strides = array<i32>} : memref<2048x1xi32, #tpu.memory_space<vmem>>, vector<2048x1xi32>,
    %iota3A_429 = tpu.iota {dimensions = array<i32: 0>} : vector<16x8xi32>
    %convert_element_type3A_430 = arith.sitofp %iota3A_429 : vector<16x8xi32> to vector<16x8xf32>
    %mul3A_431 = arith.constant 2.560000e+02 : f32
    %mul3A_432 = vector.broadcast %mul3A_431 : f32 to vector<16x8xf32>
    %mul3A_433 = arith.mulf %convert_element_type3A_430, %mul3A_432 : vector<16x8xf32>
    %iota3A_434 = tpu.iota {dimensions = array<i32: 1>} : vector<16x8xi32>
    %ge3A_435 = vector.broadcast %dot_general3A_181 : vector<1x8xf32> to vector<16x8xf32>
    %ge3A_436 = arith.cmpf oge, %mul3A_433, %ge3A_435 : vector<16x8xf32>
    %add3A_437 = arith.addf %dot_general3A_181, %mul3A_174 : vector<1x8xf32>
    %lt3A_438 = vector.broadcast %add3A_437 : vector<1x8xf32> to vector<16x8xf32>
    %lt3A_439 = arith.cmpf olt, %mul3A_433, %lt3A_438 : vector<16x8xf32>
    %and3A = arith.andi %ge3A_436, %lt3A_439 : vector<16x8xi1>
    %add3A_440 = arith.constant 1 : i32
    %add3A_441 = vector.broadcast %add3A_440 : i32 to vector<16x8xi32>
    %add3A_442 = arith.addi %iota3A_434, %add3A_441 : vector<16x8xi32>
    %jit3A_443 = arith.constant 0 : i32
    %broadcast_in_dim3A_444 = vector.broadcast %jit3A_443 : i32 to vector<16x8xi32>
    %select_n3A_445 = arith.select %and3A, %add3A_442, %broadcast_in_dim3A_444 : vector<16x8xi1>, vector<16x8xi32>
    %reduce_sum3A_446 = arith.constant dense<0> : vector<16xi32>
    %reduce_sum3A_447 = vector.multi_reduction <add>, %select_n3A_445, %reduce_sum3A_446 [1] : vector<16x8xi32> to vector<16xi32>
    %broadcast_in_dim3A_448 = vector.shape_cast %reduce_sum3A_447 : vector<16xi32> to vector<16x1xi32>
    %sub3A_449 = arith.constant 1 : i32
    %sub3A_450 = vector.broadcast %sub3A_449 : i32 to vector<16x1xi32>
    %sub3A_451 = arith.subi %broadcast_in_dim3A_448, %sub3A_450 : vector<16x1xi32>
    %swap3A_452 = arith.constant 0 : index
    %swap3A_453 = arith.constant 0 : index
    %swap3A_454 = vector.load %arg18[%swap3A_452, %swap3A_453] : memref<16x1xi32, #tpu.memory_space<vmem>>, vector<16x1xi32>
    tpu.vector_store %arg18[%swap3A_452, %swap3A_453], %sub3A_451 {strides = array<i32>} : memref<16x1xi32, #tpu.memory_space<vmem>>, vector<16x1xi32>,
    %get3A_455 = arith.constant 0 : index
    %get3A_456 = arith.constant 0 : index
    %get3A_457 = vector.load %arg12[%get3A_455, %get3A_456] : memref<768x1xf32, #tpu.memory_space<vmem>>, vector<768x1xf32>
    %dot_general3A_458 = arith.constant dense<0.000000e+00> : vector<2048x1xf32>
    %dot_general3A_459 = tpu.matmul %div3A_126, %get3A_457, %dot_general3A_458 {dimension_numbers = #tpu.dot_dimension_numbers<[1], [0], [0], [1], [0, 0, 1, 1], [], []>, transpose_lhs_hint = false} : vector<2048x768xf32>, vector<768x1xf32>, vector<2048x1xf32> -> vector<2048x1xf32>
    %get3A_460 = arith.constant 0 : index
    %get3A_461 = arith.constant 0 : index
    %get3A_462 = vector.load %arg13[%get3A_460, %get3A_461] : memref<1x1xf32, #tpu.memory_space<vmem>>, vector<1x1xf32>
    %get3A_463 = vector.extract %get3A_462[0, 0] : f32 from vector<1x1xf32>
    %add3A_464 = vector.broadcast %get3A_463 : f32 to vector<2048x1xf32>
    %add3A_465 = arith.addf %dot_general3A_459, %add3A_464 : vector<2048x1xf32>
    %slice3A_466 = vector.extract_strided_slice %add3A_465 {offsets = [0, 0], sizes = [1024, 1], strides = [1, 1]} : vector<2048x1xf32> to vector<1024x1xf32>
    %broadcast_in_dim3A_467 = arith.constant 1.000000e+00 : f32
    %broadcast_in_dim3A_468 = vector.broadcast %broadcast_in_dim3A_467 : f32 to vector<1x1024xf32>
    %iota3A_469 = tpu.iota {dimensions = array<i32: 1>} : vector<1x512xi32>
    %convert_element_type3A_470 = arith.sitofp %iota3A_469 : vector<1x512xi32> to vector<1x512xf32>
    %reduce_min3A_471 = vector.shape_cast %slice3A_466 : vector<1024x1xf32> to vector<1x1024x1xf32>
    %reduce_min3A_472 = arith.constant dense<0x7F800000> : vector<1xf32>
    %reduce_min3A_473 = vector.multi_reduction <minimumf>, %reduce_min3A_471, %reduce_min3A_472 [1, 2] : vector<1x1024x1xf32> to vector<1xf32>
    %reduce_min3A_474 = vector.shape_cast %reduce_min3A_473 : vector<1xf32> to vector<1x1x1xf32>
    %reduce_min3A_475 = vector.extract %reduce_min3A_474[0, 0, 0] : f32 from vector<1x1x1xf32>
    %reduce_max3A_476 = vector.shape_cast %slice3A_466 : vector<1024x1xf32> to vector<1x1024x1xf32>
    %reduce_max3A_477 = arith.constant dense<0xFF800000> : vector<1xf32>
    %reduce_max3A_478 = vector.multi_reduction <maximumf>, %reduce_max3A_476, %reduce_max3A_477 [1, 2] : vector<1x1024x1xf32> to vector<1xf32>
    %reduce_max3A_479 = vector.shape_cast %reduce_max3A_478 : vector<1xf32> to vector<1x1x1xf32>
    %reduce_max3A_480 = vector.extract %reduce_max3A_479[0, 0, 0] : f32 from vector<1x1x1xf32>
    %sub3A_481 = arith.subf %reduce_max3A_480, %reduce_min3A_475 : f32
    %div3A_482 = arith.constant 5.120000e+02 : f32
    %div3A_483 = arith.divf %sub3A_481, %div3A_482 : f32
    %mul3A_484 = vector.broadcast %div3A_483 : f32 to vector<1x512xf32>
    %mul3A_485 = arith.mulf %convert_element_type3A_470, %mul3A_484 : vector<1x512xf32>
    %add3A_486 = vector.broadcast %reduce_min3A_475 : f32 to vector<1x512xf32>
    %add3A_487 = arith.addf %add3A_486, %mul3A_485 : vector<1x512xf32>
    %ge3A_488 = vector.broadcast %slice3A_466 : vector<1024x1xf32> to vector<1024x512xf32>
    %ge3A_489 = vector.broadcast %add3A_487 : vector<1x512xf32> to vector<1024x512xf32>
    %ge3A_490 = arith.cmpf oge, %ge3A_488, %ge3A_489 : vector<1024x512xf32>
    %convert_element_type3A_491 = arith.extui %ge3A_490 : vector<1024x512xi1> to vector<1024x512xi32>
    %convert_element_type3A_492 = arith.sitofp %convert_element_type3A_491 : vector<1024x512xi32> to vector<1024x512xf32>
    %dot_general3A_493 = arith.constant dense<0.000000e+00> : vector<1x512xf32>
    %dot_general3A_494 = tpu.matmul %broadcast_in_dim3A_468, %convert_element_type3A_492, %dot_general3A_493 {dimension_numbers = #tpu.dot_dimension_numbers<[1], [0], [0], [1], [0, 0, 1, 1], [], []>, transpose_lhs_hint = false} : vector<1x1024xf32>, vector<1024x512xf32>, vector<1x512xf32> -> vector<1x512xf32>
    %ge3A_495 = arith.constant 4.090000e+02 : f32
    %ge3A_496 = vector.broadcast %ge3A_495 : f32 to vector<1x512xf32>
    %ge3A_497 = arith.cmpf oge, %dot_general3A_494, %ge3A_496 : vector<1x512xf32>
    %broadcast_in_dim3A_498 = vector.broadcast %reduce_min3A_475 : f32 to vector<1x512xf32>
    %select_n3A_499 = arith.select %ge3A_497, %add3A_487, %broadcast_in_dim3A_498 : vector<1x512xi1>, vector<1x512xf32>
    %reduce_max3A_500 = vector.shape_cast %select_n3A_499 : vector<1x512xf32> to vector<1x1x512xf32>
    %reduce_max3A_501 = arith.constant dense<0xFF800000> : vector<1xf32>
    %reduce_max3A_502 = vector.multi_reduction <maximumf>, %reduce_max3A_500, %reduce_max3A_501 [1, 2] : vector<1x1x512xf32> to vector<1xf32>
    %reduce_max3A_503 = vector.shape_cast %reduce_max3A_502 : vector<1xf32> to vector<1x1x1xf32>
    %reduce_max3A_504 = vector.extract %reduce_max3A_503[0, 0, 0] : f32 from vector<1x1x1xf32>
    %div3A_505 = arith.constant 5.120000e+02 : f32
    %div3A_506 = arith.divf %div3A_483, %div3A_505 : f32
    %mul3A_507 = vector.broadcast %div3A_506 : f32 to vector<1x512xf32>
    %mul3A_508 = arith.mulf %convert_element_type3A_470, %mul3A_507 : vector<1x512xf32>
    %add3A_509 = vector.broadcast %reduce_max3A_504 : f32 to vector<1x512xf32>
    %add3A_510 = arith.addf %add3A_509, %mul3A_508 : vector<1x512xf32>
    %ge3A_511 = vector.broadcast %slice3A_466 : vector<1024x1xf32> to vector<1024x512xf32>
    %ge3A_512 = vector.broadcast %add3A_510 : vector<1x512xf32> to vector<1024x512xf32>
    %ge3A_513 = arith.cmpf oge, %ge3A_511, %ge3A_512 : vector<1024x512xf32>
    %convert_element_type3A_514 = arith.extui %ge3A_513 : vector<1024x512xi1> to vector<1024x512xi32>
    %convert_element_type3A_515 = arith.sitofp %convert_element_type3A_514 : vector<1024x512xi32> to vector<1024x512xf32>
    %dot_general3A_516 = arith.constant dense<0.000000e+00> : vector<1x512xf32>
    %dot_general3A_517 = tpu.matmul %broadcast_in_dim3A_468, %convert_element_type3A_515, %dot_general3A_516 {dimension_numbers = #tpu.dot_dimension_numbers<[1], [0], [0], [1], [0, 0, 1, 1], [], []>, transpose_lhs_hint = false} : vector<1x1024xf32>, vector<1024x512xf32>, vector<1x512xf32> -> vector<1x512xf32>
    %ge3A_518 = arith.constant 4.090000e+02 : f32
    %ge3A_519 = vector.broadcast %ge3A_518 : f32 to vector<1x512xf32>
    %ge3A_520 = arith.cmpf oge, %dot_general3A_517, %ge3A_519 : vector<1x512xf32>
    %broadcast_in_dim3A_521 = vector.broadcast %reduce_max3A_504 : f32 to vector<1x512xf32>
    %select_n3A_522 = arith.select %ge3A_520, %add3A_510, %broadcast_in_dim3A_521 : vector<1x512xi1>, vector<1x512xf32>
    %reduce_max3A_523 = vector.shape_cast %select_n3A_522 : vector<1x512xf32> to vector<1x1x512xf32>
    %reduce_max3A_524 = arith.constant dense<0xFF800000> : vector<1xf32>
    %reduce_max3A_525 = vector.multi_reduction <maximumf>, %reduce_max3A_523, %reduce_max3A_524 [1, 2] : vector<1x1x512xf32> to vector<1xf32>
    %reduce_max3A_526 = vector.shape_cast %reduce_max3A_525 : vector<1xf32> to vector<1x1x1xf32>
    %reduce_max3A_527 = vector.extract %reduce_max3A_526[0, 0, 0] : f32 from vector<1x1x1xf32>
    %div3A_528 = arith.constant 5.120000e+02 : f32
    %div3A_529 = arith.divf %div3A_506, %div3A_528 : f32
    %mul3A_530 = vector.broadcast %div3A_529 : f32 to vector<1x512xf32>
    %mul3A_531 = arith.mulf %convert_element_type3A_470, %mul3A_530 : vector<1x512xf32>
    %add3A_532 = vector.broadcast %reduce_max3A_527 : f32 to vector<1x512xf32>
    %add3A_533 = arith.addf %add3A_532, %mul3A_531 : vector<1x512xf32>
    %ge3A_534 = vector.broadcast %slice3A_466 : vector<1024x1xf32> to vector<1024x512xf32>
    %ge3A_535 = vector.broadcast %add3A_533 : vector<1x512xf32> to vector<1024x512xf32>
    %ge3A_536 = arith.cmpf oge, %ge3A_534, %ge3A_535 : vector<1024x512xf32>
    %convert_element_type3A_537 = arith.extui %ge3A_536 : vector<1024x512xi1> to vector<1024x512xi32>
    %convert_element_type3A_538 = arith.sitofp %convert_element_type3A_537 : vector<1024x512xi32> to vector<1024x512xf32>
    %dot_general3A_539 = arith.constant dense<0.000000e+00> : vector<1x512xf32>
    %dot_general3A_540 = tpu.matmul %broadcast_in_dim3A_468, %convert_element_type3A_538, %dot_general3A_539 {dimension_numbers = #tpu.dot_dimension_numbers<[1], [0], [0], [1], [0, 0, 1, 1], [], []>, transpose_lhs_hint = false} : vector<1x1024xf32>, vector<1024x512xf32>, vector<1x512xf32> -> vector<1x512xf32>
    %ge3A_541 = arith.constant 4.090000e+02 : f32
    %ge3A_542 = vector.broadcast %ge3A_541 : f32 to vector<1x512xf32>
    %ge3A_543 = arith.cmpf oge, %dot_general3A_540, %ge3A_542 : vector<1x512xf32>
    %broadcast_in_dim3A_544 = vector.broadcast %reduce_max3A_527 : f32 to vector<1x512xf32>
    %select_n3A_545 = arith.select %ge3A_543, %add3A_533, %broadcast_in_dim3A_544 : vector<1x512xi1>, vector<1x512xf32>
    %reduce_max3A_546 = vector.shape_cast %select_n3A_545 : vector<1x512xf32> to vector<1x1x512xf32>
    %reduce_max3A_547 = arith.constant dense<0xFF800000> : vector<1xf32>
    %reduce_max3A_548 = vector.multi_reduction <maximumf>, %reduce_max3A_546, %reduce_max3A_547 [1, 2] : vector<1x1x512xf32> to vector<1xf32>
    %reduce_max3A_549 = vector.shape_cast %reduce_max3A_548 : vector<1xf32> to vector<1x1x1xf32>
    %reduce_max3A_550 = vector.extract %reduce_max3A_549[0, 0, 0] : f32 from vector<1x1x1xf32>
    %div3A_551 = arith.constant 5.120000e+02 : f32
    %div3A_552 = arith.divf %div3A_529, %div3A_551 : f32
    %mul3A_553 = vector.broadcast %div3A_552 : f32 to vector<1x512xf32>
    %mul3A_554 = arith.mulf %convert_element_type3A_470, %mul3A_553 : vector<1x512xf32>
    %add3A_555 = vector.broadcast %reduce_max3A_550 : f32 to vector<1x512xf32>
    %add3A_556 = arith.addf %add3A_555, %mul3A_554 : vector<1x512xf32>
    %ge3A_557 = vector.broadcast %slice3A_466 : vector<1024x1xf32> to vector<1024x512xf32>
    %ge3A_558 = vector.broadcast %add3A_556 : vector<1x512xf32> to vector<1024x512xf32>
    %ge3A_559 = arith.cmpf oge, %ge3A_557, %ge3A_558 : vector<1024x512xf32>
    %convert_element_type3A_560 = arith.extui %ge3A_559 : vector<1024x512xi1> to vector<1024x512xi32>
    %convert_element_type3A_561 = arith.sitofp %convert_element_type3A_560 : vector<1024x512xi32> to vector<1024x512xf32>
    %dot_general3A_562 = arith.constant dense<0.000000e+00> : vector<1x512xf32>
    %dot_general3A_563 = tpu.matmul %broadcast_in_dim3A_468, %convert_element_type3A_561, %dot_general3A_562 {dimension_numbers = #tpu.dot_dimension_numbers<[1], [0], [0], [1], [0, 0, 1, 1], [], []>, transpose_lhs_hint = false} : vector<1x1024xf32>, vector<1024x512xf32>, vector<1x512xf32> -> vector<1x512xf32>
    %ge3A_564 = arith.constant 4.090000e+02 : f32
    %ge3A_565 = vector.broadcast %ge3A_564 : f32 to vector<1x512xf32>
    %ge3A_566 = arith.cmpf oge, %dot_general3A_563, %ge3A_565 : vector<1x512xf32>
    %broadcast_in_dim3A_567 = vector.broadcast %reduce_max3A_550 : f32 to vector<1x512xf32>
    %select_n3A_568 = arith.select %ge3A_566, %add3A_556, %broadcast_in_dim3A_567 : vector<1x512xi1>, vector<1x512xf32>
    %reduce_max3A_569 = vector.shape_cast %select_n3A_568 : vector<1x512xf32> to vector<1x1x512xf32>
    %reduce_max3A_570 = arith.constant dense<0xFF800000> : vector<1xf32>
    %reduce_max3A_571 = vector.multi_reduction <maximumf>, %reduce_max3A_569, %reduce_max3A_570 [1, 2] : vector<1x1x512xf32> to vector<1xf32>
    %reduce_max3A_572 = vector.shape_cast %reduce_max3A_571 : vector<1xf32> to vector<1x1x1xf32>
    %reduce_max3A_573 = vector.extract %reduce_max3A_572[0, 0, 0] : f32 from vector<1x1x1xf32>
    %div3A_574 = arith.constant 5.120000e+02 : f32
    %div3A_575 = arith.divf %div3A_552, %div3A_574 : f32
    %mul3A_576 = vector.broadcast %div3A_575 : f32 to vector<1x512xf32>
    %mul3A_577 = arith.mulf %convert_element_type3A_470, %mul3A_576 : vector<1x512xf32>
    %add3A_578 = vector.broadcast %reduce_max3A_573 : f32 to vector<1x512xf32>
    %add3A_579 = arith.addf %add3A_578, %mul3A_577 : vector<1x512xf32>
    %ge3A_580 = vector.broadcast %slice3A_466 : vector<1024x1xf32> to vector<1024x512xf32>
    %ge3A_581 = vector.broadcast %add3A_579 : vector<1x512xf32> to vector<1024x512xf32>
    %ge3A_582 = arith.cmpf oge, %ge3A_580, %ge3A_581 : vector<1024x512xf32>
    %convert_element_type3A_583 = arith.extui %ge3A_582 : vector<1024x512xi1> to vector<1024x512xi32>
    %convert_element_type3A_584 = arith.sitofp %convert_element_type3A_583 : vector<1024x512xi32> to vector<1024x512xf32>
    %dot_general3A_585 = arith.constant dense<0.000000e+00> : vector<1x512xf32>
    %dot_general3A_586 = tpu.matmul %broadcast_in_dim3A_468, %convert_element_type3A_584, %dot_general3A_585 {dimension_numbers = #tpu.dot_dimension_numbers<[1], [0], [0], [1], [0, 0, 1, 1], [], []>, transpose_lhs_hint = false} : vector<1x1024xf32>, vector<1024x512xf32>, vector<1x512xf32> -> vector<1x512xf32>
    %ge3A_587 = arith.constant 4.090000e+02 : f32
    %ge3A_588 = vector.broadcast %ge3A_587 : f32 to vector<1x512xf32>
    %ge3A_589 = arith.cmpf oge, %dot_general3A_586, %ge3A_588 : vector<1x512xf32>
    %broadcast_in_dim3A_590 = vector.broadcast %reduce_max3A_573 : f32 to vector<1x512xf32>
    %select_n3A_591 = arith.select %ge3A_589, %add3A_579, %broadcast_in_dim3A_590 : vector<1x512xi1>, vector<1x512xf32>
    %reduce_max3A_592 = vector.shape_cast %select_n3A_591 : vector<1x512xf32> to vector<1x1x512xf32>
    %reduce_max3A_593 = arith.constant dense<0xFF800000> : vector<1xf32>
    %reduce_max3A_594 = vector.multi_reduction <maximumf>, %reduce_max3A_592, %reduce_max3A_593 [1, 2] : vector<1x1x512xf32> to vector<1xf32>
    %reduce_max3A_595 = vector.shape_cast %reduce_max3A_594 : vector<1xf32> to vector<1x1x1xf32>
    %reduce_max3A_596 = vector.extract %reduce_max3A_595[0, 0, 0] : f32 from vector<1x1x1xf32>
    %slice3A_597 = vector.extract_strided_slice %add3A_465 {offsets = [1024, 0], sizes = [1024, 1], strides = [1, 1]} : vector<2048x1xf32> to vector<1024x1xf32>
    %broadcast_in_dim3A_598 = arith.constant 1.000000e+00 : f32
    %broadcast_in_dim3A_599 = vector.broadcast %broadcast_in_dim3A_598 : f32 to vector<1x1024xf32>
    %iota3A_600 = tpu.iota {dimensions = array<i32: 1>} : vector<1x512xi32>
    %convert_element_type3A_601 = arith.sitofp %iota3A_600 : vector<1x512xi32> to vector<1x512xf32>
    %reduce_min3A_602 = vector.shape_cast %slice3A_597 : vector<1024x1xf32> to vector<1x1024x1xf32>
    %reduce_min3A_603 = arith.constant dense<0x7F800000> : vector<1xf32>
    %reduce_min3A_604 = vector.multi_reduction <minimumf>, %reduce_min3A_602, %reduce_min3A_603 [1, 2] : vector<1x1024x1xf32> to vector<1xf32>
    %reduce_min3A_605 = vector.shape_cast %reduce_min3A_604 : vector<1xf32> to vector<1x1x1xf32>
    %reduce_min3A_606 = vector.extract %reduce_min3A_605[0, 0, 0] : f32 from vector<1x1x1xf32>
    %reduce_max3A_607 = vector.shape_cast %slice3A_597 : vector<1024x1xf32> to vector<1x1024x1xf32>
    %reduce_max3A_608 = arith.constant dense<0xFF800000> : vector<1xf32>
    %reduce_max3A_609 = vector.multi_reduction <maximumf>, %reduce_max3A_607, %reduce_max3A_608 [1, 2] : vector<1x1024x1xf32> to vector<1xf32>
    %reduce_max3A_610 = vector.shape_cast %reduce_max3A_609 : vector<1xf32> to vector<1x1x1xf32>
    %reduce_max3A_611 = vector.extract %reduce_max3A_610[0, 0, 0] : f32 from vector<1x1x1xf32>
    %sub3A_612 = arith.subf %reduce_max3A_611, %reduce_min3A_606 : f32
    %div3A_613 = arith.constant 5.120000e+02 : f32
    %div3A_614 = arith.divf %sub3A_612, %div3A_613 : f32
    %mul3A_615 = vector.broadcast %div3A_614 : f32 to vector<1x512xf32>
    %mul3A_616 = arith.mulf %convert_element_type3A_601, %mul3A_615 : vector<1x512xf32>
    %add3A_617 = vector.broadcast %reduce_min3A_606 : f32 to vector<1x512xf32>
    %add3A_618 = arith.addf %add3A_617, %mul3A_616 : vector<1x512xf32>
    %ge3A_619 = vector.broadcast %slice3A_597 : vector<1024x1xf32> to vector<1024x512xf32>
    %ge3A_620 = vector.broadcast %add3A_618 : vector<1x512xf32> to vector<1024x512xf32>
    %ge3A_621 = arith.cmpf oge, %ge3A_619, %ge3A_620 : vector<1024x512xf32>
    %convert_element_type3A_622 = arith.extui %ge3A_621 : vector<1024x512xi1> to vector<1024x512xi32>
    %convert_element_type3A_623 = arith.sitofp %convert_element_type3A_622 : vector<1024x512xi32> to vector<1024x512xf32>
    %dot_general3A_624 = arith.constant dense<0.000000e+00> : vector<1x512xf32>
    %dot_general3A_625 = tpu.matmul %broadcast_in_dim3A_599, %convert_element_type3A_623, %dot_general3A_624 {dimension_numbers = #tpu.dot_dimension_numbers<[1], [0], [0], [1], [0, 0, 1, 1], [], []>, transpose_lhs_hint = false} : vector<1x1024xf32>, vector<1024x512xf32>, vector<1x512xf32> -> vector<1x512xf32>
    %ge3A_626 = arith.constant 4.090000e+02 : f32
    %ge3A_627 = vector.broadcast %ge3A_626 : f32 to vector<1x512xf32>
    %ge3A_628 = arith.cmpf oge, %dot_general3A_625, %ge3A_627 : vector<1x512xf32>
    %broadcast_in_dim3A_629 = vector.broadcast %reduce_min3A_606 : f32 to vector<1x512xf32>
    %select_n3A_630 = arith.select %ge3A_628, %add3A_618, %broadcast_in_dim3A_629 : vector<1x512xi1>, vector<1x512xf32>
    %reduce_max3A_631 = vector.shape_cast %select_n3A_630 : vector<1x512xf32> to vector<1x1x512xf32>
    %reduce_max3A_632 = arith.constant dense<0xFF800000> : vector<1xf32>
    %reduce_max3A_633 = vector.multi_reduction <maximumf>, %reduce_max3A_631, %reduce_max3A_632 [1, 2] : vector<1x1x512xf32> to vector<1xf32>
    %reduce_max3A_634 = vector.shape_cast %reduce_max3A_633 : vector<1xf32> to vector<1x1x1xf32>
    %reduce_max3A_635 = vector.extract %reduce_max3A_634[0, 0, 0] : f32 from vector<1x1x1xf32>
    %div3A_636 = arith.constant 5.120000e+02 : f32
    %div3A_637 = arith.divf %div3A_614, %div3A_636 : f32
    %mul3A_638 = vector.broadcast %div3A_637 : f32 to vector<1x512xf32>
    %mul3A_639 = arith.mulf %convert_element_type3A_601, %mul3A_638 : vector<1x512xf32>
    %add3A_640 = vector.broadcast %reduce_max3A_635 : f32 to vector<1x512xf32>
    %add3A_641 = arith.addf %add3A_640, %mul3A_639 : vector<1x512xf32>
    %ge3A_642 = vector.broadcast %slice3A_597 : vector<1024x1xf32> to vector<1024x512xf32>
    %ge3A_643 = vector.broadcast %add3A_641 : vector<1x512xf32> to vector<1024x512xf32>
    %ge3A_644 = arith.cmpf oge, %ge3A_642, %ge3A_643 : vector<1024x512xf32>
    %convert_element_type3A_645 = arith.extui %ge3A_644 : vector<1024x512xi1> to vector<1024x512xi32>
    %convert_element_type3A_646 = arith.sitofp %convert_element_type3A_645 : vector<1024x512xi32> to vector<1024x512xf32>
    %dot_general3A_647 = arith.constant dense<0.000000e+00> : vector<1x512xf32>
    %dot_general3A_648 = tpu.matmul %broadcast_in_dim3A_599, %convert_element_type3A_646, %dot_general3A_647 {dimension_numbers = #tpu.dot_dimension_numbers<[1], [0], [0], [1], [0, 0, 1, 1], [], []>, transpose_lhs_hint = false} : vector<1x1024xf32>, vector<1024x512xf32>, vector<1x512xf32> -> vector<1x512xf32>
    %ge3A_649 = arith.constant 4.090000e+02 : f32
    %ge3A_650 = vector.broadcast %ge3A_649 : f32 to vector<1x512xf32>
    %ge3A_651 = arith.cmpf oge, %dot_general3A_648, %ge3A_650 : vector<1x512xf32>
    %broadcast_in_dim3A_652 = vector.broadcast %reduce_max3A_635 : f32 to vector<1x512xf32>
    %select_n3A_653 = arith.select %ge3A_651, %add3A_641, %broadcast_in_dim3A_652 : vector<1x512xi1>, vector<1x512xf32>
    %reduce_max3A_654 = vector.shape_cast %select_n3A_653 : vector<1x512xf32> to vector<1x1x512xf32>
    %reduce_max3A_655 = arith.constant dense<0xFF800000> : vector<1xf32>
    %reduce_max3A_656 = vector.multi_reduction <maximumf>, %reduce_max3A_654, %reduce_max3A_655 [1, 2] : vector<1x1x512xf32> to vector<1xf32>
    %reduce_max3A_657 = vector.shape_cast %reduce_max3A_656 : vector<1xf32> to vector<1x1x1xf32>
    %reduce_max3A_658 = vector.extract %reduce_max3A_657[0, 0, 0] : f32 from vector<1x1x1xf32>
    %div3A_659 = arith.constant 5.120000e+02 : f32
    %div3A_660 = arith.divf %div3A_637, %div3A_659 : f32
    %mul3A_661 = vector.broadcast %div3A_660 : f32 to vector<1x512xf32>
    %mul3A_662 = arith.mulf %convert_element_type3A_601, %mul3A_661 : vector<1x512xf32>
    %add3A_663 = vector.broadcast %reduce_max3A_658 : f32 to vector<1x512xf32>
    %add3A_664 = arith.addf %add3A_663, %mul3A_662 : vector<1x512xf32>
    %ge3A_665 = vector.broadcast %slice3A_597 : vector<1024x1xf32> to vector<1024x512xf32>
    %ge3A_666 = vector.broadcast %add3A_664 : vector<1x512xf32> to vector<1024x512xf32>
    %ge3A_667 = arith.cmpf oge, %ge3A_665, %ge3A_666 : vector<1024x512xf32>
    %convert_element_type3A_668 = arith.extui %ge3A_667 : vector<1024x512xi1> to vector<1024x512xi32>
    %convert_element_type3A_669 = arith.sitofp %convert_element_type3A_668 : vector<1024x512xi32> to vector<1024x512xf32>
    %dot_general3A_670 = arith.constant dense<0.000000e+00> : vector<1x512xf32>
    %dot_general3A_671 = tpu.matmul %broadcast_in_dim3A_599, %convert_element_type3A_669, %dot_general3A_670 {dimension_numbers = #tpu.dot_dimension_numbers<[1], [0], [0], [1], [0, 0, 1, 1], [], []>, transpose_lhs_hint = false} : vector<1x1024xf32>, vector<1024x512xf32>, vector<1x512xf32> -> vector<1x512xf32>
    %ge3A_672 = arith.constant 4.090000e+02 : f32
    %ge3A_673 = vector.broadcast %ge3A_672 : f32 to vector<1x512xf32>
    %ge3A_674 = arith.cmpf oge, %dot_general3A_671, %ge3A_673 : vector<1x512xf32>
    %broadcast_in_dim3A_675 = vector.broadcast %reduce_max3A_658 : f32 to vector<1x512xf32>
    %select_n3A_676 = arith.select %ge3A_674, %add3A_664, %broadcast_in_dim3A_675 : vector<1x512xi1>, vector<1x512xf32>
    %reduce_max3A_677 = vector.shape_cast %select_n3A_676 : vector<1x512xf32> to vector<1x1x512xf32>
    %reduce_max3A_678 = arith.constant dense<0xFF800000> : vector<1xf32>
    %reduce_max3A_679 = vector.multi_reduction <maximumf>, %reduce_max3A_677, %reduce_max3A_678 [1, 2] : vector<1x1x512xf32> to vector<1xf32>
    %reduce_max3A_680 = vector.shape_cast %reduce_max3A_679 : vector<1xf32> to vector<1x1x1xf32>
    %reduce_max3A_681 = vector.extract %reduce_max3A_680[0, 0, 0] : f32 from vector<1x1x1xf32>
    %div3A_682 = arith.constant 5.120000e+02 : f32
    %div3A_683 = arith.divf %div3A_660, %div3A_682 : f32
    %mul3A_684 = vector.broadcast %div3A_683 : f32 to vector<1x512xf32>
    %mul3A_685 = arith.mulf %convert_element_type3A_601, %mul3A_684 : vector<1x512xf32>
    %add3A_686 = vector.broadcast %reduce_max3A_681 : f32 to vector<1x512xf32>
    %add3A_687 = arith.addf %add3A_686, %mul3A_685 : vector<1x512xf32>
    %ge3A_688 = vector.broadcast %slice3A_597 : vector<1024x1xf32> to vector<1024x512xf32>
    %ge3A_689 = vector.broadcast %add3A_687 : vector<1x512xf32> to vector<1024x512xf32>
    %ge3A_690 = arith.cmpf oge, %ge3A_688, %ge3A_689 : vector<1024x512xf32>
    %convert_element_type3A_691 = arith.extui %ge3A_690 : vector<1024x512xi1> to vector<1024x512xi32>
    %convert_element_type3A_692 = arith.sitofp %convert_element_type3A_691 : vector<1024x512xi32> to vector<1024x512xf32>
    %dot_general3A_693 = arith.constant dense<0.000000e+00> : vector<1x512xf32>
    %dot_general3A_694 = tpu.matmul %broadcast_in_dim3A_599, %convert_element_type3A_692, %dot_general3A_693 {dimension_numbers = #tpu.dot_dimension_numbers<[1], [0], [0], [1], [0, 0, 1, 1], [], []>, transpose_lhs_hint = false} : vector<1x1024xf32>, vector<1024x512xf32>, vector<1x512xf32> -> vector<1x512xf32>
    %ge3A_695 = arith.constant 4.090000e+02 : f32
    %ge3A_696 = vector.broadcast %ge3A_695 : f32 to vector<1x512xf32>
    %ge3A_697 = arith.cmpf oge, %dot_general3A_694, %ge3A_696 : vector<1x512xf32>
    %broadcast_in_dim3A_698 = vector.broadcast %reduce_max3A_681 : f32 to vector<1x512xf32>
    %select_n3A_699 = arith.select %ge3A_697, %add3A_687, %broadcast_in_dim3A_698 : vector<1x512xi1>, vector<1x512xf32>
    %reduce_max3A_700 = vector.shape_cast %select_n3A_699 : vector<1x512xf32> to vector<1x1x512xf32>
    %reduce_max3A_701 = arith.constant dense<0xFF800000> : vector<1xf32>
    %reduce_max3A_702 = vector.multi_reduction <maximumf>, %reduce_max3A_700, %reduce_max3A_701 [1, 2] : vector<1x1x512xf32> to vector<1xf32>
    %reduce_max3A_703 = vector.shape_cast %reduce_max3A_702 : vector<1xf32> to vector<1x1x1xf32>
    %reduce_max3A_704 = vector.extract %reduce_max3A_703[0, 0, 0] : f32 from vector<1x1x1xf32>
    %div3A_705 = arith.constant 5.120000e+02 : f32
    %div3A_706 = arith.divf %div3A_683, %div3A_705 : f32
    %mul3A_707 = vector.broadcast %div3A_706 : f32 to vector<1x512xf32>
    %mul3A_708 = arith.mulf %convert_element_type3A_601, %mul3A_707 : vector<1x512xf32>
    %add3A_709 = vector.broadcast %reduce_max3A_704 : f32 to vector<1x512xf32>
    %add3A_710 = arith.addf %add3A_709, %mul3A_708 : vector<1x512xf32>
    %ge3A_711 = vector.broadcast %slice3A_597 : vector<1024x1xf32> to vector<1024x512xf32>
    %ge3A_712 = vector.broadcast %add3A_710 : vector<1x512xf32> to vector<1024x512xf32>
    %ge3A_713 = arith.cmpf oge, %ge3A_711, %ge3A_712 : vector<1024x512xf32>
    %convert_element_type3A_714 = arith.extui %ge3A_713 : vector<1024x512xi1> to vector<1024x512xi32>
    %convert_element_type3A_715 = arith.sitofp %convert_element_type3A_714 : vector<1024x512xi32> to vector<1024x512xf32>
    %dot_general3A_716 = arith.constant dense<0.000000e+00> : vector<1x512xf32>
    %dot_general3A_717 = tpu.matmul %broadcast_in_dim3A_599, %convert_element_type3A_715, %dot_general3A_716 {dimension_numbers = #tpu.dot_dimension_numbers<[1], [0], [0], [1], [0, 0, 1, 1], [], []>, transpose_lhs_hint = false} : vector<1x1024xf32>, vector<1024x512xf32>, vector<1x512xf32> -> vector<1x512xf32>
    %ge3A_718 = arith.constant 4.090000e+02 : f32
    %ge3A_719 = vector.broadcast %ge3A_718 : f32 to vector<1x512xf32>
    %ge3A_720 = arith.cmpf oge, %dot_general3A_717, %ge3A_719 : vector<1x512xf32>
    %broadcast_in_dim3A_721 = vector.broadcast %reduce_max3A_704 : f32 to vector<1x512xf32>
    %select_n3A_722 = arith.select %ge3A_720, %add3A_710, %broadcast_in_dim3A_721 : vector<1x512xi1>, vector<1x512xf32>
    %reduce_max3A_723 = vector.shape_cast %select_n3A_722 : vector<1x512xf32> to vector<1x1x512xf32>
    %reduce_max3A_724 = arith.constant dense<0xFF800000> : vector<1xf32>
    %reduce_max3A_725 = vector.multi_reduction <maximumf>, %reduce_max3A_723, %reduce_max3A_724 [1, 2] : vector<1x1x512xf32> to vector<1xf32>
    %reduce_max3A_726 = vector.shape_cast %reduce_max3A_725 : vector<1xf32> to vector<1x1x1xf32>
    %reduce_max3A_727 = vector.extract %reduce_max3A_726[0, 0, 0] : f32 from vector<1x1x1xf32>
    %iota3A_728 = tpu.iota {dimensions = array<i32: 0>} : vector<2048x1xi32>
    %lt3A_729 = arith.constant 1024 : i32
    %lt3A_730 = vector.broadcast %lt3A_729 : i32 to vector<2048x1xi32>
    %lt3A_731 = arith.cmpi slt, %iota3A_728, %lt3A_730 : vector<2048x1xi32>
    %broadcast_in_dim3A_732 = vector.broadcast %reduce_max3A_596 : f32 to vector<2048x1xf32>
    %broadcast_in_dim3A_733 = vector.broadcast %reduce_max3A_727 : f32 to vector<2048x1xf32>
    %select_n3A_734 = arith.select %lt3A_731, %broadcast_in_dim3A_732, %broadcast_in_dim3A_733 : vector<2048x1xi1>, vector<2048x1xf32>
    %ge3A_735 = arith.cmpf oge, %add3A_465, %select_n3A_734 : vector<2048x1xf32>
    %convert_element_type3A_736 = arith.extui %ge3A_735 : vector<2048x1xi1> to vector<2048x1xi32>
    %convert_element_type3A_737 = arith.sitofp %convert_element_type3A_736 : vector<2048x1xi32> to vector<2048x1xf32>
    %swap3A_738 = arith.constant 0 : index
    %swap3A_739 = arith.constant 0 : index
    %swap3A_740 = vector.load %arg19[%swap3A_738, %swap3A_739] : memref<2048x1xf32, #tpu.memory_space<vmem>>, vector<2048x1xf32>
    tpu.vector_store %arg19[%swap3A_738, %swap3A_739], %convert_element_type3A_737 {strides = array<i32>} : memref<2048x1xf32, #tpu.memory_space<vmem>>, vector<2048x1xf32>,
    %reduce_sum3A_741 = vector.shape_cast %convert_element_type3A_737 : vector<2048x1xf32> to vector<1x2048x1xf32>
    %reduce_sum3A_742 = arith.constant dense<0.000000e+00> : vector<1xf32>
    %reduce_sum3A_743 = vector.multi_reduction <add>, %reduce_sum3A_741, %reduce_sum3A_742 [1, 2] : vector<1x2048x1xf32> to vector<1xf32>
    %reduce_sum3A_744 = vector.shape_cast %reduce_sum3A_743 : vector<1xf32> to vector<1x1x1xf32>
    %reduce_sum3A_745 = vector.extract %reduce_sum3A_744[0, 0, 0] : f32 from vector<1x1x1xf32>
    %div3A_746 = arith.constant 2.048000e+03 : f32
    %div3A_747 = arith.divf %reduce_sum3A_745, %div3A_746 : f32
    %sub3A_748 = arith.constant 1.000000e+00 : f32
    %sub3A_749 = arith.subf %sub3A_748, %div3A_747 : f32
    %reshape3A = vector.broadcast %sub3A_749 : f32 to vector<1x1xf32>
    %swap3A_750 = arith.constant 0 : index
    %swap3A_751 = arith.constant 0 : index
    %swap3A_752 = vector.load %arg20[%swap3A_750, %swap3A_751] : memref<1x1xf32, #tpu.memory_space<vmem>>, vector<1x1xf32>
    tpu.vector_store %arg20[%swap3A_750, %swap3A_751], %reshape3A {strides = array<i32>} : memref<1x1xf32, #tpu.memory_space<vmem>>, vector<1x1xf32>,
    return
  }
}

module attributes {stable_mosaic.version = 14 : i64} {
  func.func @_c_body(%arg0: i32, %arg1: memref<16xi32, #tpu.memory_space<smem>>, %arg2: memref<256x768xf32, #tpu.memory_space<vmem>>, %arg3: memref<1x768x768xbf16, #tpu.memory_space<vmem>>, %arg4: memref<1x1x768xf32, #tpu.memory_space<vmem>>, %arg5: memref<1x768x768xbf16, #tpu.memory_space<vmem>>, %arg6: memref<1x1x768xf32, #tpu.memory_space<vmem>>, %arg7: memref<256x768xf32, #tpu.memory_space<vmem>>) attributes {dimension_semantics = [#tpu.dimension_semantics<arbitrary>], iteration_bounds = array<i64: 16>, scalar_prefetch = 1 : i64, scratch_operands = 0 : i64, tpu.core_type = #tpu.core_type<tc>, window_params = [{transform_indices = @transform_0, window_bounds = array<i64: 256, 768>}, {transform_indices = @transform_1, window_bounds = array<i64: 1, 768, 768>}, {transform_indices = @transform_2, window_bounds = array<i64: 1, 1, 768>}, {transform_indices = @transform_3, window_bounds = array<i64: 1, 768, 768>}, {transform_indices = @transform_4, window_bounds = array<i64: 1, 1, 768>}, {transform_indices = @transform_5, window_bounds = array<i64: 256, 768>}]} {
    %get3A = arith.index_cast %arg0 : i32 to index
    %get3A_0 = memref.load %arg1[%get3A] : memref<16xi32, #tpu.memory_space<smem>>
    %ge3A = arith.constant 0 : i32
    %ge3A_1 = arith.cmpi sge, %get3A_0, %ge3A : i32
    %convert_element_type3A = arith.extui %ge3A_1 : i1 to i32
    %cond3A = arith.constant 0 : i32
    %cond3A_2 = arith.cmpi ne, %convert_element_type3A, %cond3A : i32
    scf.if %cond3A_2 {
      %get3A_3 = arith.constant 0 : index
      %get3A_4 = arith.constant 0 : index
      %get3A_5 = vector.load %arg2[%get3A_3, %get3A_4] : memref<256x768xf32, #tpu.memory_space<vmem>>, vector<256x768xf32>
      %get3A_6 = arith.constant 0 : index
      %get3A_7 = arith.constant 0 : index
      %get3A_8 = arith.constant 0 : index
      %get3A_9 = vector.load %arg3[%get3A_6, %get3A_7, %get3A_8] : memref<1x768x768xbf16, #tpu.memory_space<vmem>>, vector<1x768x768xbf16>
      %get3A_10 = vector.shape_cast %get3A_9 : vector<1x768x768xbf16> to vector<768x768xbf16>
      %convert_element_type3A_11 = arith.truncf %get3A_5 : vector<256x768xf32> to vector<256x768xbf16>
      %dot_general3A = arith.constant dense<0.000000e+00> : vector<256x768xf32>
      %dot_general3A_12 = tpu.matmul %convert_element_type3A_11, %get3A_10, %dot_general3A {dimension_numbers = #tpu.dot_dimension_numbers<[1], [0], [0], [1], [0, 0, 1, 1], [], []>, transpose_lhs_hint = false} : vector<256x768xbf16>, vector<768x768xbf16>, vector<256x768xf32> -> vector<256x768xf32>
      %get3A_13 = arith.constant 0 : index
      %get3A_14 = arith.constant 0 : index
      %get3A_15 = arith.constant 0 : index
      %get3A_16 = vector.load %arg4[%get3A_13, %get3A_14, %get3A_15] : memref<1x1x768xf32, #tpu.memory_space<vmem>>, vector<1x1x768xf32>
      %get3A_17 = vector.shape_cast %get3A_16 : vector<1x1x768xf32> to vector<1x768xf32>
      %add3A = vector.broadcast %get3A_17 : vector<1x768xf32> to vector<256x768xf32>
      %add3A_18 = arith.addf %dot_general3A_12, %add3A : vector<256x768xf32>
      %div3A = arith.constant 1.41421354 : f32
      %div3A_19 = vector.broadcast %div3A : f32 to vector<256x768xf32>
      %div3A_20 = arith.divf %add3A_18, %div3A_19 : vector<256x768xf32>
      %erf3A = math.erf %div3A_20 : vector<256x768xf32>
      %add3A_21 = arith.constant 1.000000e+00 : f32
      %add3A_22 = vector.broadcast %add3A_21 : f32 to vector<256x768xf32>
      %add3A_23 = arith.addf %erf3A, %add3A_22 : vector<256x768xf32>
      %mul3A = arith.mulf %add3A_18, %add3A_23 : vector<256x768xf32>
      %div3A_24 = arith.constant 2.000000e+00 : f32
      %div3A_25 = vector.broadcast %div3A_24 : f32 to vector<256x768xf32>
      %div3A_26 = arith.divf %mul3A, %div3A_25 : vector<256x768xf32>
      %get3A_27 = arith.constant 0 : index
      %get3A_28 = arith.constant 0 : index
      %get3A_29 = arith.constant 0 : index
      %get3A_30 = vector.load %arg5[%get3A_27, %get3A_28, %get3A_29] : memref<1x768x768xbf16, #tpu.memory_space<vmem>>, vector<1x768x768xbf16>
      %get3A_31 = vector.shape_cast %get3A_30 : vector<1x768x768xbf16> to vector<768x768xbf16>
      %convert_element_type3A_32 = arith.truncf %div3A_26 : vector<256x768xf32> to vector<256x768xbf16>
      %dot_general3A_33 = arith.constant dense<0.000000e+00> : vector<256x768xf32>
      %dot_general3A_34 = tpu.matmul %convert_element_type3A_32, %get3A_31, %dot_general3A_33 {dimension_numbers = #tpu.dot_dimension_numbers<[1], [0], [0], [1], [0, 0, 1, 1], [], []>, transpose_lhs_hint = false} : vector<256x768xbf16>, vector<768x768xbf16>, vector<256x768xf32> -> vector<256x768xf32>
      %get3A_35 = arith.constant 0 : index
      %get3A_36 = arith.constant 0 : index
      %get3A_37 = arith.constant 0 : index
      %get3A_38 = vector.load %arg6[%get3A_35, %get3A_36, %get3A_37] : memref<1x1x768xf32, #tpu.memory_space<vmem>>, vector<1x1x768xf32>
      %get3A_39 = vector.shape_cast %get3A_38 : vector<1x1x768xf32> to vector<1x768xf32>
      %add3A_40 = vector.broadcast %get3A_39 : vector<1x768xf32> to vector<256x768xf32>
      %add3A_41 = arith.addf %dot_general3A_34, %add3A_40 : vector<256x768xf32>
      %swap3A = arith.constant 0 : index
      %swap3A_42 = arith.constant 0 : index
      %swap3A_43 = vector.load %arg7[%swap3A, %swap3A_42] : memref<256x768xf32, #tpu.memory_space<vmem>>, vector<256x768xf32>
      tpu.vector_store %arg7[%swap3A, %swap3A_42], %add3A_41 {strides = array<i32>} : memref<256x768xf32, #tpu.memory_space<vmem>>, vector<256x768xf32>,
    } else {
    }
    return
  }
  func.func @transform_0(%arg0: i32, %arg1: memref<16xi32, #tpu.memory_space<smem>>) -> (i32, i32) {
    %c0_i32 = arith.constant 0 : i32
    %c0_i32_0 = arith.constant 0 : i32
    return %arg0, %c0_i32 : i32, i32
  }
  func.func @transform_1(%arg0: i32, %arg1: memref<16xi32, #tpu.memory_space<smem>>) -> (i32, i32, i32) {
    %get3A = arith.index_cast %arg0 : i32 to index
    %get3A_0 = memref.load %arg1[%get3A] : memref<16xi32, #tpu.memory_space<smem>>
    %lt3A = arith.constant 0 : i32
    %lt3A_1 = arith.cmpi slt, %get3A_0, %lt3A : i32
    %get3A_2 = arith.index_cast %arg0 : i32 to index
    %get3A_3 = memref.load %arg1[%get3A_2] : memref<16xi32, #tpu.memory_space<smem>>
    %jit3A = arith.constant 7 : i32
    %select_n3A = arith.select %lt3A_1, %jit3A, %get3A_3 : i32
    %c0_i32 = arith.constant 0 : i32
    %c0_i32_4 = arith.constant 0 : i32
    %c0_i32_5 = arith.constant 0 : i32
    return %select_n3A, %c0_i32, %c0_i32_4 : i32, i32, i32
  }
  func.func @transform_2(%arg0: i32, %arg1: memref<16xi32, #tpu.memory_space<smem>>) -> (i32, i32, i32) {
    %get3A = arith.index_cast %arg0 : i32 to index
    %get3A_0 = memref.load %arg1[%get3A] : memref<16xi32, #tpu.memory_space<smem>>
    %lt3A = arith.constant 0 : i32
    %lt3A_1 = arith.cmpi slt, %get3A_0, %lt3A : i32
    %get3A_2 = arith.index_cast %arg0 : i32 to index
    %get3A_3 = memref.load %arg1[%get3A_2] : memref<16xi32, #tpu.memory_space<smem>>
    %jit3A = arith.constant 7 : i32
    %select_n3A = arith.select %lt3A_1, %jit3A, %get3A_3 : i32
    %c0_i32 = arith.constant 0 : i32
    %c0_i32_4 = arith.constant 0 : i32
    %c0_i32_5 = arith.constant 0 : i32
    return %select_n3A, %c0_i32, %c0_i32_4 : i32, i32, i32
  }
  func.func @transform_3(%arg0: i32, %arg1: memref<16xi32, #tpu.memory_space<smem>>) -> (i32, i32, i32) {
    %get3A = arith.index_cast %arg0 : i32 to index
    %get3A_0 = memref.load %arg1[%get3A] : memref<16xi32, #tpu.memory_space<smem>>
    %lt3A = arith.constant 0 : i32
    %lt3A_1 = arith.cmpi slt, %get3A_0, %lt3A : i32
    %get3A_2 = arith.index_cast %arg0 : i32 to index
    %get3A_3 = memref.load %arg1[%get3A_2] : memref<16xi32, #tpu.memory_space<smem>>
    %jit3A = arith.constant 7 : i32
    %select_n3A = arith.select %lt3A_1, %jit3A, %get3A_3 : i32
    %c0_i32 = arith.constant 0 : i32
    %c0_i32_4 = arith.constant 0 : i32
    %c0_i32_5 = arith.constant 0 : i32
    return %select_n3A, %c0_i32, %c0_i32_4 : i32, i32, i32
  }
  func.func @transform_4(%arg0: i32, %arg1: memref<16xi32, #tpu.memory_space<smem>>) -> (i32, i32, i32) {
    %get3A = arith.index_cast %arg0 : i32 to index
    %get3A_0 = memref.load %arg1[%get3A] : memref<16xi32, #tpu.memory_space<smem>>
    %lt3A = arith.constant 0 : i32
    %lt3A_1 = arith.cmpi slt, %get3A_0, %lt3A : i32
    %get3A_2 = arith.index_cast %arg0 : i32 to index
    %get3A_3 = memref.load %arg1[%get3A_2] : memref<16xi32, #tpu.memory_space<smem>>
    %jit3A = arith.constant 7 : i32
    %select_n3A = arith.select %lt3A_1, %jit3A, %get3A_3 : i32
    %c0_i32 = arith.constant 0 : i32
    %c0_i32_4 = arith.constant 0 : i32
    %c0_i32_5 = arith.constant 0 : i32
    return %select_n3A, %c0_i32, %c0_i32_4 : i32, i32, i32
  }
  func.func @transform_5(%arg0: i32, %arg1: memref<16xi32, #tpu.memory_space<smem>>) -> (i32, i32) {
    %c0_i32 = arith.constant 0 : i32
    %c0_i32_0 = arith.constant 0 : i32
    return %arg0, %c0_i32 : i32, i32
  }
}

module attributes {stable_mosaic.version = 14 : i64} {
  func.func @_d_body(%arg0: i32, %arg1: memref<256x768xf32, #tpu.memory_space<vmem>>, %arg2: memref<256x1xf32, #tpu.memory_space<vmem>>, %arg3: memref<256x1xf32, #tpu.memory_space<vmem>>, %arg4: memref<256x1536xf32, #tpu.memory_space<vmem>>, %arg5: memref<1x768xf32, #tpu.memory_space<vmem>>, %arg6: memref<1x1xf32, #tpu.memory_space<vmem>>, %arg7: memref<2x768xf32, #tpu.memory_space<vmem>>, %arg8: memref<1x768xf32, #tpu.memory_space<vmem>>, %arg9: memref<1x1xf32, #tpu.memory_space<vmem>>, %arg10: memref<768x1536xbf16, #tpu.memory_space<vmem>>, %arg11: memref<1x1536xf32, #tpu.memory_space<vmem>>, %arg12: memref<1x1536xf32, #tpu.memory_space<vmem>>, %arg13: memref<1x1536xf32, #tpu.memory_space<vmem>>, %arg14: memref<1536x1536xbf16, #tpu.memory_space<vmem>>, %arg15: memref<1x1536xf32, #tpu.memory_space<vmem>>, %arg16: memref<1x1536xf32, #tpu.memory_space<vmem>>, %arg17: memref<1x768xf32, #tpu.memory_space<vmem>>, %arg18: memref<1x768xf32, #tpu.memory_space<vmem>>, %arg19: memref<768x768xbf16, #tpu.memory_space<vmem>>, %arg20: memref<1x768xf32, #tpu.memory_space<vmem>>, %arg21: memref<768x768xbf16, #tpu.memory_space<vmem>>, %arg22: memref<1x768xf32, #tpu.memory_space<vmem>>, %arg23: memref<1x1xf32, #tpu.memory_space<vmem>>, %arg24: memref<1x1xf32, #tpu.memory_space<vmem>>, %arg25: memref<256x1536xf32, #tpu.memory_space<vmem>>) attributes {dimension_semantics = [#tpu.dimension_semantics<arbitrary>], iteration_bounds = array<i64: 8>, scalar_prefetch = 0 : i64, scratch_operands = 0 : i64, tpu.core_type = #tpu.core_type<tc>, window_params = [{transform_indices = @transform_0, window_bounds = array<i64: 256, 768>}, {transform_indices = @transform_1, window_bounds = array<i64: 256, 1>}, {transform_indices = @transform_2, window_bounds = array<i64: 256, 1>}, {transform_indices = @transform_3, window_bounds = array<i64: 256, 1536>}, {pipeline_mode = #tpu.pipeline_mode<synchronous>, transform_indices = @transform_4, window_bounds = array<i64: 1, 768>}, {pipeline_mode = #tpu.pipeline_mode<synchronous>, transform_indices = @transform_5, window_bounds = array<i64: 1, 1>}, {pipeline_mode = #tpu.pipeline_mode<synchronous>, transform_indices = @transform_6, window_bounds = array<i64: 2, 768>}, {pipeline_mode = #tpu.pipeline_mode<synchronous>, transform_indices = @transform_7, window_bounds = array<i64: 1, 768>}, {pipeline_mode = #tpu.pipeline_mode<synchronous>, transform_indices = @transform_8, window_bounds = array<i64: 1, 1>}, {pipeline_mode = #tpu.pipeline_mode<synchronous>, transform_indices = @transform_9, window_bounds = array<i64: 768, 1536>}, {pipeline_mode = #tpu.pipeline_mode<synchronous>, transform_indices = @transform_10, window_bounds = array<i64: 1, 1536>}, {pipeline_mode = #tpu.pipeline_mode<synchronous>, transform_indices = @transform_11, window_bounds = array<i64: 1, 1536>}, {pipeline_mode = #tpu.pipeline_mode<synchronous>, transform_indices = @transform_12, window_bounds = array<i64: 1, 1536>}, {pipeline_mode = #tpu.pipeline_mode<synchronous>, transform_indices = @transform_13, window_bounds = array<i64: 1536, 1536>}, {pipeline_mode = #tpu.pipeline_mode<synchronous>, transform_indices = @transform_14, window_bounds = array<i64: 1, 1536>}, {pipeline_mode = #tpu.pipeline_mode<synchronous>, transform_indices = @transform_15, window_bounds = array<i64: 1, 1536>}, {pipeline_mode = #tpu.pipeline_mode<synchronous>, transform_indices = @transform_16, window_bounds = array<i64: 1, 768>}, {pipeline_mode = #tpu.pipeline_mode<synchronous>, transform_indices = @transform_17, window_bounds = array<i64: 1, 768>}, {pipeline_mode = #tpu.pipeline_mode<synchronous>, transform_indices = @transform_18, window_bounds = array<i64: 768, 768>}, {pipeline_mode = #tpu.pipeline_mode<synchronous>, transform_indices = @transform_19, window_bounds = array<i64: 1, 768>}, {pipeline_mode = #tpu.pipeline_mode<synchronous>, transform_indices = @transform_20, window_bounds = array<i64: 768, 768>}, {pipeline_mode = #tpu.pipeline_mode<synchronous>, transform_indices = @transform_21, window_bounds = array<i64: 1, 768>}, {pipeline_mode = #tpu.pipeline_mode<synchronous>, transform_indices = @transform_22, window_bounds = array<i64: 1, 1>}, {pipeline_mode = #tpu.pipeline_mode<synchronous>, transform_indices = @transform_23, window_bounds = array<i64: 1, 1>}, {transform_indices = @transform_24, window_bounds = array<i64: 256, 1536>}]} {
    %get3A = arith.constant 0 : index
    %get3A_0 = arith.constant 0 : index
    %get3A_1 = vector.load %arg2[%get3A, %get3A_0] : memref<256x1xf32, #tpu.memory_space<vmem>>, vector<256x1xf32>
    %get3A_2 = arith.constant 0 : index
    %get3A_3 = arith.constant 0 : index
    %get3A_4 = vector.load %arg1[%get3A_2, %get3A_3] : memref<256x768xf32, #tpu.memory_space<vmem>>, vector<256x768xf32>
    %mul3A = vector.broadcast %get3A_1 : vector<256x1xf32> to vector<256x768xf32>
    %mul3A_5 = arith.mulf %mul3A, %get3A_4 : vector<256x768xf32>
    %get3A_6 = arith.constant 0 : index
    %get3A_7 = arith.constant 0 : index
    %get3A_8 = vector.load %arg5[%get3A_6, %get3A_7] : memref<1x768xf32, #tpu.memory_space<vmem>>, vector<1x768xf32>
    %mul3A_9 = vector.broadcast %get3A_8 : vector<1x768xf32> to vector<256x768xf32>
    %mul3A_10 = arith.mulf %mul3A_5, %mul3A_9 : vector<256x768xf32>
    %reduce_sum3A = arith.constant dense<0.000000e+00> : vector<256xf32>
    %reduce_sum3A_11 = vector.multi_reduction <add>, %mul3A_10, %reduce_sum3A [1] : vector<256x768xf32> to vector<256xf32>
    %broadcast_in_dim3A = vector.shape_cast %reduce_sum3A_11 : vector<256xf32> to vector<256x1xf32>
    %get3A_12 = arith.constant 0 : index
    %get3A_13 = arith.constant 0 : index
    %get3A_14 = vector.load %arg6[%get3A_12, %get3A_13] : memref<1x1xf32, #tpu.memory_space<vmem>>, vector<1x1xf32>
    %get3A_15 = vector.extract %get3A_14[0, 0] : f32 from vector<1x1xf32>
    %add3A = vector.broadcast %get3A_15 : f32 to vector<256x1xf32>
    %add3A_16 = arith.addf %broadcast_in_dim3A, %add3A : vector<256x1xf32>
    %jit3A = arith.constant -3.000000e+00 : f32
    %jit3A_17 = arith.constant 3.000000e+00 : f32
    %max3A = vector.broadcast %jit3A : f32 to vector<256x1xf32>
    %max3A_18 = arith.maximumf %max3A, %add3A_16 : vector<256x1xf32>
    %min3A = vector.broadcast %jit3A_17 : f32 to vector<256x1xf32>
    %min3A_19 = arith.minimumf %min3A, %max3A_18 : vector<256x1xf32>
    %mul3A_20 = arith.mulf %min3A_19, %min3A_19 : vector<256x1xf32>
    %add3A_21 = arith.constant 1.000000e+00 : f32
    %add3A_22 = vector.broadcast %add3A_21 : f32 to vector<256x1xf32>
    %add3A_23 = arith.addf %mul3A_20, %add3A_22 : vector<256x1xf32>
    %get3A_24 = arith.constant 0 : index
    %get3A_25 = arith.constant 0 : index
    %get3A_26 = vector.load %arg3[%get3A_24, %get3A_25] : memref<256x1xf32, #tpu.memory_space<vmem>>, vector<256x1xf32>
    %div3A = arith.divf %min3A_19, %add3A_23 : vector<256x1xf32>
    %mul3A_27 = arith.mulf %div3A, %get3A_26 : vector<256x1xf32>
    %jit3A_28 = arith.constant -1.000000e+01 : f32
    %jit3A_29 = arith.constant 1.000000e+01 : f32
    %max3A_30 = vector.broadcast %jit3A_28 : f32 to vector<256x1xf32>
    %max3A_31 = arith.maximumf %max3A_30, %mul3A_27 : vector<256x1xf32>
    %min3A_32 = vector.broadcast %jit3A_29 : f32 to vector<256x1xf32>
    %min3A_33 = arith.minimumf %min3A_32, %max3A_31 : vector<256x1xf32>
    %div3A_34 = arith.constant -1.000000e+00 : f32
    %div3A_35 = vector.broadcast %div3A_34 : f32 to vector<256x1xf32>
    %div3A_36 = arith.divf %div3A_35, %add3A_23 : vector<256x1xf32>
    %mul3A_37 = arith.mulf %div3A_36, %get3A_26 : vector<256x1xf32>
    %jit3A_38 = arith.constant -1.000000e+01 : f32
    %jit3A_39 = arith.constant 1.000000e+01 : f32
    %max3A_40 = vector.broadcast %jit3A_38 : f32 to vector<256x1xf32>
    %max3A_41 = arith.maximumf %max3A_40, %mul3A_37 : vector<256x1xf32>
    %min3A_42 = vector.broadcast %jit3A_39 : f32 to vector<256x1xf32>
    %min3A_43 = arith.minimumf %min3A_42, %max3A_41 : vector<256x1xf32>
    %get3A_44 = arith.constant 0 : index
    %get3A_45 = arith.constant 0 : index
    %get3A_46 = vector.load %arg7[%get3A_44, %get3A_45] : memref<2x768xf32, #tpu.memory_space<vmem>>, vector<1x768xf32>
    %mul3A_47 = vector.broadcast %min3A_33 : vector<256x1xf32> to vector<256x768xf32>
    %mul3A_48 = vector.broadcast %get3A_46 : vector<1x768xf32> to vector<256x768xf32>
    %mul3A_49 = arith.mulf %mul3A_47, %mul3A_48 : vector<256x768xf32>
    %get3A_50 = arith.constant 1 : index
    %get3A_51 = arith.constant 0 : index
    %get3A_52 = vector.load %arg7[%get3A_50, %get3A_51] : memref<2x768xf32, #tpu.memory_space<vmem>>, vector<1x768xf32>
    %mul3A_53 = vector.broadcast %min3A_43 : vector<256x1xf32> to vector<256x768xf32>
    %mul3A_54 = vector.broadcast %get3A_52 : vector<1x768xf32> to vector<256x768xf32>
    %mul3A_55 = arith.mulf %mul3A_53, %mul3A_54 : vector<256x768xf32>
    %add3A_56 = arith.addf %mul3A_49, %mul3A_55 : vector<256x768xf32>
    %get3A_57 = arith.constant 0 : index
    %get3A_58 = arith.constant 0 : index
    %get3A_59 = vector.load %arg8[%get3A_57, %get3A_58] : memref<1x768xf32, #tpu.memory_space<vmem>>, vector<1x768xf32>
    %add3A_60 = vector.broadcast %get3A_59 : vector<1x768xf32> to vector<256x768xf32>
    %add3A_61 = arith.addf %add3A_56, %add3A_60 : vector<256x768xf32>
    %get3A_62 = arith.constant 0 : index
    %get3A_63 = arith.constant 0 : index
    %get3A_64 = vector.load %arg9[%get3A_62, %get3A_63] : memref<1x1xf32, #tpu.memory_space<vmem>>, vector<1x1xf32>
    %get3A_65 = vector.extract %get3A_64[0, 0] : f32 from vector<1x1xf32>
    %mul3A_66 = vector.broadcast %get3A_65 : f32 to vector<256x768xf32>
    %mul3A_67 = arith.mulf %mul3A_66, %add3A_61 : vector<256x768xf32>
    %add3A_68 = arith.addf %mul3A_5, %mul3A_67 : vector<256x768xf32>
    %get3A_69 = arith.constant 0 : index
    %get3A_70 = arith.constant 0 : index
    %get3A_71 = vector.load %arg10[%get3A_69, %get3A_70] : memref<768x1536xbf16, #tpu.memory_space<vmem>>, vector<768x1536xbf16>
    %convert_element_type3A = arith.truncf %add3A_68 : vector<256x768xf32> to vector<256x768xbf16>
    %dot_general3A = arith.constant dense<0.000000e+00> : vector<256x1536xf32>
    %dot_general3A_72 = tpu.matmul %convert_element_type3A, %get3A_71, %dot_general3A {dimension_numbers = #tpu.dot_dimension_numbers<[1], [0], [0], [1], [0, 0, 1, 1], [], []>, transpose_lhs_hint = false} : vector<256x768xbf16>, vector<768x1536xbf16>, vector<256x1536xf32> -> vector<256x1536xf32>
    %get3A_73 = arith.constant 0 : index
    %get3A_74 = arith.constant 0 : index
    %get3A_75 = vector.load %arg11[%get3A_73, %get3A_74] : memref<1x1536xf32, #tpu.memory_space<vmem>>, vector<1x1536xf32>
    %add3A_76 = vector.broadcast %get3A_75 : vector<1x1536xf32> to vector<256x1536xf32>
    %add3A_77 = arith.addf %dot_general3A_72, %add3A_76 : vector<256x1536xf32>
    %get3A_78 = arith.constant 0 : index
    %get3A_79 = arith.constant 0 : index
    %get3A_80 = vector.load %arg12[%get3A_78, %get3A_79] : memref<1x1536xf32, #tpu.memory_space<vmem>>, vector<1x1536xf32>
    %get3A_81 = arith.constant 0 : index
    %get3A_82 = arith.constant 0 : index
    %get3A_83 = vector.load %arg13[%get3A_81, %get3A_82] : memref<1x1536xf32, #tpu.memory_space<vmem>>, vector<1x1536xf32>
    %reduce_sum3A_84 = arith.constant dense<0.000000e+00> : vector<256xf32>
    %reduce_sum3A_85 = vector.multi_reduction <add>, %add3A_77, %reduce_sum3A_84 [1] : vector<256x1536xf32> to vector<256xf32>
    %broadcast_in_dim3A_86 = vector.shape_cast %reduce_sum3A_85 : vector<256xf32> to vector<256x1xf32>
    %div3A_87 = arith.constant 1.536000e+03 : f32
    %div3A_88 = vector.broadcast %div3A_87 : f32 to vector<256x1xf32>
    %div3A_89 = arith.divf %broadcast_in_dim3A_86, %div3A_88 : vector<256x1xf32>
    %jit3A_90 = arith.constant 0 : i32
    %reduce_sum3A_91 = arith.constant dense<0.000000e+00> : vector<256xf32>
    %reduce_sum3A_92 = vector.multi_reduction <add>, %add3A_77, %reduce_sum3A_91 [1] : vector<256x1536xf32> to vector<256xf32>
    %broadcast_in_dim3A_93 = vector.shape_cast %reduce_sum3A_92 : vector<256xf32> to vector<256x1xf32>
    %div3A_94 = arith.constant 1.536000e+03 : f32
    %div3A_95 = vector.broadcast %div3A_94 : f32 to vector<256x1xf32>
    %div3A_96 = arith.divf %broadcast_in_dim3A_93, %div3A_95 : vector<256x1xf32>
    %sub3A = vector.broadcast %div3A_96 : vector<256x1xf32> to vector<256x1536xf32>
    %sub3A_97 = arith.subf %add3A_77, %sub3A : vector<256x1536xf32>
    %square3A = arith.mulf %sub3A_97, %sub3A_97 : vector<256x1536xf32>
    %convert_element_type3A_98 = arith.sitofp %jit3A_90 : i32 to f32
    %sub3A_99 = arith.constant 1.536000e+03 : f32
    %sub3A_100 = arith.subf %sub3A_99, %convert_element_type3A_98 : f32
    %reduce_sum3A_101 = arith.constant dense<0.000000e+00> : vector<256xf32>
    %reduce_sum3A_102 = vector.multi_reduction <add>, %square3A, %reduce_sum3A_101 [1] : vector<256x1536xf32> to vector<256xf32>
    %broadcast_in_dim3A_103 = vector.shape_cast %reduce_sum3A_102 : vector<256xf32> to vector<256x1xf32>
    %div3A_104 = vector.broadcast %sub3A_100 : f32 to vector<256x1xf32>
    %div3A_105 = arith.divf %broadcast_in_dim3A_103, %div3A_104 : vector<256x1xf32>
    %gt3A = arith.constant 0.000000e+00 : f32
    %gt3A_106 = arith.cmpf ogt, %sub3A_100, %gt3A : f32
    %jit3A_107 = arith.constant 0x7FC00000 : f32
    %broadcast_in_dim3A_108 = vector.broadcast %jit3A_107 : f32 to vector<256x1xf32>
    %select_n3A = arith.select %gt3A_106, %div3A_105, %broadcast_in_dim3A_108 : vector<256x1xf32>
    %sub3A_109 = vector.broadcast %div3A_89 : vector<256x1xf32> to vector<256x1536xf32>
    %sub3A_110 = arith.subf %add3A_77, %sub3A_109 : vector<256x1536xf32>
    %add3A_111 = arith.constant 9.99999974E-6 : f32
    %add3A_112 = vector.broadcast %add3A_111 : f32 to vector<256x1xf32>
    %add3A_113 = arith.addf %select_n3A, %add3A_112 : vector<256x1xf32>
    %sqrt3A = math.sqrt %add3A_113 : vector<256x1xf32>
    %div3A_114 = vector.broadcast %sqrt3A : vector<256x1xf32> to vector<256x1536xf32>
    %div3A_115 = arith.divf %sub3A_110, %div3A_114 : vector<256x1536xf32>
    %mul3A_116 = vector.broadcast %get3A_80 : vector<1x1536xf32> to vector<256x1536xf32>
    %mul3A_117 = arith.mulf %div3A_115, %mul3A_116 : vector<256x1536xf32>
    %add3A_118 = vector.broadcast %get3A_83 : vector<1x1536xf32> to vector<256x1536xf32>
    %add3A_119 = arith.addf %mul3A_117, %add3A_118 : vector<256x1536xf32>
    %div3A_120 = arith.constant 1.41421354 : f32
    %div3A_121 = vector.broadcast %div3A_120 : f32 to vector<256x1536xf32>
    %div3A_122 = arith.divf %add3A_119, %div3A_121 : vector<256x1536xf32>
    %erf3A = math.erf %div3A_122 : vector<256x1536xf32>
    %add3A_123 = arith.constant 1.000000e+00 : f32
    %add3A_124 = vector.broadcast %add3A_123 : f32 to vector<256x1536xf32>
    %add3A_125 = arith.addf %erf3A, %add3A_124 : vector<256x1536xf32>
    %mul3A_126 = arith.mulf %add3A_119, %add3A_125 : vector<256x1536xf32>
    %div3A_127 = arith.constant 2.000000e+00 : f32
    %div3A_128 = vector.broadcast %div3A_127 : f32 to vector<256x1536xf32>
    %div3A_129 = arith.divf %mul3A_126, %div3A_128 : vector<256x1536xf32>
    %get3A_130 = arith.constant 0 : index
    %get3A_131 = arith.constant 0 : index
    %get3A_132 = vector.load %arg14[%get3A_130, %get3A_131] : memref<1536x1536xbf16, #tpu.memory_space<vmem>>, vector<1536x1536xbf16>
    %convert_element_type3A_133 = arith.truncf %div3A_129 : vector<256x1536xf32> to vector<256x1536xbf16>
    %dot_general3A_134 = arith.constant dense<0.000000e+00> : vector<256x1536xf32>
    %dot_general3A_135 = tpu.matmul %convert_element_type3A_133, %get3A_132, %dot_general3A_134 {dimension_numbers = #tpu.dot_dimension_numbers<[1], [0], [0], [1], [0, 0, 1, 1], [], []>, transpose_lhs_hint = false} : vector<256x1536xbf16>, vector<1536x1536xbf16>, vector<256x1536xf32> -> vector<256x1536xf32>
    %get3A_136 = arith.constant 0 : index
    %get3A_137 = arith.constant 0 : index
    %get3A_138 = vector.load %arg15[%get3A_136, %get3A_137] : memref<1x1536xf32, #tpu.memory_space<vmem>>, vector<1x1536xf32>
    %add3A_139 = vector.broadcast %get3A_138 : vector<1x1536xf32> to vector<256x1536xf32>
    %add3A_140 = arith.addf %dot_general3A_135, %add3A_139 : vector<256x1536xf32>
    %get3A_141 = arith.constant 0 : index
    %get3A_142 = arith.constant 0 : index
    %get3A_143 = vector.load %arg16[%get3A_141, %get3A_142] : memref<1x1536xf32, #tpu.memory_space<vmem>>, vector<1x1536xf32>
    %add3A_144 = vector.broadcast %get3A_143 : vector<1x1536xf32> to vector<256x1536xf32>
    %add3A_145 = arith.addf %add3A_140, %add3A_144 : vector<256x1536xf32>
    %get3A_146 = arith.constant 0 : index
    %get3A_147 = arith.constant 0 : index
    %get3A_148 = vector.load %arg4[%get3A_146, %get3A_147] : memref<256x1536xf32, #tpu.memory_space<vmem>>, vector<256x1536xf32>
    %get3A_149 = arith.constant 0 : index
    %get3A_150 = arith.constant 0 : index
    %get3A_151 = vector.load %arg23[%get3A_149, %get3A_150] : memref<1x1xf32, #tpu.memory_space<vmem>>, vector<1x1xf32>
    %get3A_152 = vector.extract %get3A_151[0, 0] : f32 from vector<1x1xf32>
    %mul3A_153 = vector.broadcast %get3A_152 : f32 to vector<256x1536xf32>
    %mul3A_154 = arith.mulf %mul3A_153, %add3A_145 : vector<256x1536xf32>
    %add3A_155 = arith.addf %get3A_148, %mul3A_154 : vector<256x1536xf32>
    %get3A_156 = arith.constant 0 : index
    %get3A_157 = arith.constant 0 : index
    %get3A_158 = vector.load %arg17[%get3A_156, %get3A_157] : memref<1x768xf32, #tpu.memory_space<vmem>>, vector<1x768xf32>
    %get3A_159 = arith.constant 0 : index
    %get3A_160 = arith.constant 0 : index
    %get3A_161 = vector.load %arg18[%get3A_159, %get3A_160] : memref<1x768xf32, #tpu.memory_space<vmem>>, vector<1x768xf32>
    %slice3A = vector.extract_strided_slice %add3A_145 {offsets = [0, 0], sizes = [256, 768], strides = [1, 1]} : vector<256x1536xf32> to vector<256x768xf32>
    %reduce_sum3A_162 = arith.constant dense<0.000000e+00> : vector<256xf32>
    %reduce_sum3A_163 = vector.multi_reduction <add>, %slice3A, %reduce_sum3A_162 [1] : vector<256x768xf32> to vector<256xf32>
    %broadcast_in_dim3A_164 = vector.shape_cast %reduce_sum3A_163 : vector<256xf32> to vector<256x1xf32>
    %div3A_165 = arith.constant 7.680000e+02 : f32
    %div3A_166 = vector.broadcast %div3A_165 : f32 to vector<256x1xf32>
    %div3A_167 = arith.divf %broadcast_in_dim3A_164, %div3A_166 : vector<256x1xf32>
    %jit3A_168 = arith.constant 0 : i32
    %reduce_sum3A_169 = arith.constant dense<0.000000e+00> : vector<256xf32>
    %reduce_sum3A_170 = vector.multi_reduction <add>, %slice3A, %reduce_sum3A_169 [1] : vector<256x768xf32> to vector<256xf32>
    %broadcast_in_dim3A_171 = vector.shape_cast %reduce_sum3A_170 : vector<256xf32> to vector<256x1xf32>
    %div3A_172 = arith.constant 7.680000e+02 : f32
    %div3A_173 = vector.broadcast %div3A_172 : f32 to vector<256x1xf32>
    %div3A_174 = arith.divf %broadcast_in_dim3A_171, %div3A_173 : vector<256x1xf32>
    %sub3A_175 = vector.broadcast %div3A_174 : vector<256x1xf32> to vector<256x768xf32>
    %sub3A_176 = arith.subf %slice3A, %sub3A_175 : vector<256x768xf32>
    %square3A_177 = arith.mulf %sub3A_176, %sub3A_176 : vector<256x768xf32>
    %convert_element_type3A_178 = arith.sitofp %jit3A_168 : i32 to f32
    %sub3A_179 = arith.constant 7.680000e+02 : f32
    %sub3A_180 = arith.subf %sub3A_179, %convert_element_type3A_178 : f32
    %reduce_sum3A_181 = arith.constant dense<0.000000e+00> : vector<256xf32>
    %reduce_sum3A_182 = vector.multi_reduction <add>, %square3A_177, %reduce_sum3A_181 [1] : vector<256x768xf32> to vector<256xf32>
    %broadcast_in_dim3A_183 = vector.shape_cast %reduce_sum3A_182 : vector<256xf32> to vector<256x1xf32>
    %div3A_184 = vector.broadcast %sub3A_180 : f32 to vector<256x1xf32>
    %div3A_185 = arith.divf %broadcast_in_dim3A_183, %div3A_184 : vector<256x1xf32>
    %gt3A_186 = arith.constant 0.000000e+00 : f32
    %gt3A_187 = arith.cmpf ogt, %sub3A_180, %gt3A_186 : f32
    %jit3A_188 = arith.constant 0x7FC00000 : f32
    %broadcast_in_dim3A_189 = vector.broadcast %jit3A_188 : f32 to vector<256x1xf32>
    %select_n3A_190 = arith.select %gt3A_187, %div3A_185, %broadcast_in_dim3A_189 : vector<256x1xf32>
    %sub3A_191 = vector.broadcast %div3A_167 : vector<256x1xf32> to vector<256x768xf32>
    %sub3A_192 = arith.subf %slice3A, %sub3A_191 : vector<256x768xf32>
    %add3A_193 = arith.constant 9.99999974E-6 : f32
    %add3A_194 = vector.broadcast %add3A_193 : f32 to vector<256x1xf32>
    %add3A_195 = arith.addf %select_n3A_190, %add3A_194 : vector<256x1xf32>
    %sqrt3A_196 = math.sqrt %add3A_195 : vector<256x1xf32>
    %div3A_197 = vector.broadcast %sqrt3A_196 : vector<256x1xf32> to vector<256x768xf32>
    %div3A_198 = arith.divf %sub3A_192, %div3A_197 : vector<256x768xf32>
    %mul3A_199 = vector.broadcast %get3A_158 : vector<1x768xf32> to vector<256x768xf32>
    %mul3A_200 = arith.mulf %div3A_198, %mul3A_199 : vector<256x768xf32>
    %add3A_201 = vector.broadcast %get3A_161 : vector<1x768xf32> to vector<256x768xf32>
    %add3A_202 = arith.addf %mul3A_200, %add3A_201 : vector<256x768xf32>
    %get3A_203 = arith.constant 0 : index
    %get3A_204 = arith.constant 0 : index
    %get3A_205 = vector.load %arg19[%get3A_203, %get3A_204] : memref<768x768xbf16, #tpu.memory_space<vmem>>, vector<768x768xbf16>
    %convert_element_type3A_206 = arith.truncf %add3A_202 : vector<256x768xf32> to vector<256x768xbf16>
    %dot_general3A_207 = arith.constant dense<0.000000e+00> : vector<256x768xf32>
    %dot_general3A_208 = tpu.matmul %convert_element_type3A_206, %get3A_205, %dot_general3A_207 {dimension_numbers = #tpu.dot_dimension_numbers<[1], [0], [0], [1], [0, 0, 1, 1], [], []>, transpose_lhs_hint = false} : vector<256x768xbf16>, vector<768x768xbf16>, vector<256x768xf32> -> vector<256x768xf32>
    %get3A_209 = arith.constant 0 : index
    %get3A_210 = arith.constant 0 : index
    %get3A_211 = vector.load %arg20[%get3A_209, %get3A_210] : memref<1x768xf32, #tpu.memory_space<vmem>>, vector<1x768xf32>
    %add3A_212 = vector.broadcast %get3A_211 : vector<1x768xf32> to vector<256x768xf32>
    %add3A_213 = arith.addf %dot_general3A_208, %add3A_212 : vector<256x768xf32>
    %div3A_214 = arith.constant 1.41421354 : f32
    %div3A_215 = vector.broadcast %div3A_214 : f32 to vector<256x768xf32>
    %div3A_216 = arith.divf %add3A_213, %div3A_215 : vector<256x768xf32>
    %erf3A_217 = math.erf %div3A_216 : vector<256x768xf32>
    %add3A_218 = arith.constant 1.000000e+00 : f32
    %add3A_219 = vector.broadcast %add3A_218 : f32 to vector<256x768xf32>
    %add3A_220 = arith.addf %erf3A_217, %add3A_219 : vector<256x768xf32>
    %mul3A_221 = arith.mulf %add3A_213, %add3A_220 : vector<256x768xf32>
    %div3A_222 = arith.constant 2.000000e+00 : f32
    %div3A_223 = vector.broadcast %div3A_222 : f32 to vector<256x768xf32>
    %div3A_224 = arith.divf %mul3A_221, %div3A_223 : vector<256x768xf32>
    %get3A_225 = arith.constant 0 : index
    %get3A_226 = arith.constant 0 : index
    %get3A_227 = vector.load %arg21[%get3A_225, %get3A_226] : memref<768x768xbf16, #tpu.memory_space<vmem>>, vector<768x768xbf16>
    %convert_element_type3A_228 = arith.truncf %div3A_224 : vector<256x768xf32> to vector<256x768xbf16>
    %dot_general3A_229 = arith.constant dense<0.000000e+00> : vector<256x768xf32>
    %dot_general3A_230 = tpu.matmul %convert_element_type3A_228, %get3A_227, %dot_general3A_229 {dimension_numbers = #tpu.dot_dimension_numbers<[1], [0], [0], [1], [0, 0, 1, 1], [], []>, transpose_lhs_hint = false} : vector<256x768xbf16>, vector<768x768xbf16>, vector<256x768xf32> -> vector<256x768xf32>
    %get3A_231 = arith.constant 0 : index
    %get3A_232 = arith.constant 0 : index
    %get3A_233 = vector.load %arg22[%get3A_231, %get3A_232] : memref<1x768xf32, #tpu.memory_space<vmem>>, vector<1x768xf32>
    %add3A_234 = vector.broadcast %get3A_233 : vector<1x768xf32> to vector<256x768xf32>
    %add3A_235 = arith.addf %dot_general3A_230, %add3A_234 : vector<256x768xf32>
    %slice3A_236 = vector.extract_strided_slice %add3A_155 {offsets = [0, 0], sizes = [256, 768], strides = [1, 1]} : vector<256x1536xf32> to vector<256x768xf32>
    %get3A_237 = arith.constant 0 : index
    %get3A_238 = arith.constant 0 : index
    %get3A_239 = vector.load %arg24[%get3A_237, %get3A_238] : memref<1x1xf32, #tpu.memory_space<vmem>>, vector<1x1xf32>
    %get3A_240 = vector.extract %get3A_239[0, 0] : f32 from vector<1x1xf32>
    %mul3A_241 = vector.broadcast %get3A_240 : f32 to vector<256x768xf32>
    %mul3A_242 = arith.mulf %mul3A_241, %add3A_235 : vector<256x768xf32>
    %add3A_243 = arith.addf %slice3A_236, %mul3A_242 : vector<256x768xf32>
    %swap3A = arith.constant 0 : index
    %swap3A_244 = arith.constant 0 : index
    %swap3A_245 = vector.load %arg25[%swap3A, %swap3A_244] : memref<256x1536xf32, #tpu.memory_space<vmem>>, vector<256x768xf32>
    tpu.vector_store %arg25[%swap3A, %swap3A_244], %add3A_243 {strides = array<i32>} : memref<256x1536xf32, #tpu.memory_space<vmem>>, vector<256x768xf32>,
    %slice3A_246 = vector.extract_strided_slice %add3A_145 {offsets = [0, 768], sizes = [256, 768], strides = [1, 1]} : vector<256x1536xf32> to vector<256x768xf32>
    %reduce_sum3A_247 = arith.constant dense<0.000000e+00> : vector<256xf32>
    %reduce_sum3A_248 = vector.multi_reduction <add>, %slice3A_246, %reduce_sum3A_247 [1] : vector<256x768xf32> to vector<256xf32>
    %broadcast_in_dim3A_249 = vector.shape_cast %reduce_sum3A_248 : vector<256xf32> to vector<256x1xf32>
    %div3A_250 = arith.constant 7.680000e+02 : f32
    %div3A_251 = vector.broadcast %div3A_250 : f32 to vector<256x1xf32>
    %div3A_252 = arith.divf %broadcast_in_dim3A_249, %div3A_251 : vector<256x1xf32>
    %jit3A_253 = arith.constant 0 : i32
    %reduce_sum3A_254 = arith.constant dense<0.000000e+00> : vector<256xf32>
    %reduce_sum3A_255 = vector.multi_reduction <add>, %slice3A_246, %reduce_sum3A_254 [1] : vector<256x768xf32> to vector<256xf32>
    %broadcast_in_dim3A_256 = vector.shape_cast %reduce_sum3A_255 : vector<256xf32> to vector<256x1xf32>
    %div3A_257 = arith.constant 7.680000e+02 : f32
    %div3A_258 = vector.broadcast %div3A_257 : f32 to vector<256x1xf32>
    %div3A_259 = arith.divf %broadcast_in_dim3A_256, %div3A_258 : vector<256x1xf32>
    %sub3A_260 = vector.broadcast %div3A_259 : vector<256x1xf32> to vector<256x768xf32>
    %sub3A_261 = arith.subf %slice3A_246, %sub3A_260 : vector<256x768xf32>
    %square3A_262 = arith.mulf %sub3A_261, %sub3A_261 : vector<256x768xf32>
    %convert_element_type3A_263 = arith.sitofp %jit3A_253 : i32 to f32
    %sub3A_264 = arith.constant 7.680000e+02 : f32
    %sub3A_265 = arith.subf %sub3A_264, %convert_element_type3A_263 : f32
    %reduce_sum3A_266 = arith.constant dense<0.000000e+00> : vector<256xf32>
    %reduce_sum3A_267 = vector.multi_reduction <add>, %square3A_262, %reduce_sum3A_266 [1] : vector<256x768xf32> to vector<256xf32>
    %broadcast_in_dim3A_268 = vector.shape_cast %reduce_sum3A_267 : vector<256xf32> to vector<256x1xf32>
    %div3A_269 = vector.broadcast %sub3A_265 : f32 to vector<256x1xf32>
    %div3A_270 = arith.divf %broadcast_in_dim3A_268, %div3A_269 : vector<256x1xf32>
    %gt3A_271 = arith.constant 0.000000e+00 : f32
    %gt3A_272 = arith.cmpf ogt, %sub3A_265, %gt3A_271 : f32
    %jit3A_273 = arith.constant 0x7FC00000 : f32
    %broadcast_in_dim3A_274 = vector.broadcast %jit3A_273 : f32 to vector<256x1xf32>
    %select_n3A_275 = arith.select %gt3A_272, %div3A_270, %broadcast_in_dim3A_274 : vector<256x1xf32>
    %sub3A_276 = vector.broadcast %div3A_252 : vector<256x1xf32> to vector<256x768xf32>
    %sub3A_277 = arith.subf %slice3A_246, %sub3A_276 : vector<256x768xf32>
    %add3A_278 = arith.constant 9.99999974E-6 : f32
    %add3A_279 = vector.broadcast %add3A_278 : f32 to vector<256x1xf32>
    %add3A_280 = arith.addf %select_n3A_275, %add3A_279 : vector<256x1xf32>
    %sqrt3A_281 = math.sqrt %add3A_280 : vector<256x1xf32>
    %div3A_282 = vector.broadcast %sqrt3A_281 : vector<256x1xf32> to vector<256x768xf32>
    %div3A_283 = arith.divf %sub3A_277, %div3A_282 : vector<256x768xf32>
    %mul3A_284 = vector.broadcast %get3A_158 : vector<1x768xf32> to vector<256x768xf32>
    %mul3A_285 = arith.mulf %div3A_283, %mul3A_284 : vector<256x768xf32>
    %add3A_286 = vector.broadcast %get3A_161 : vector<1x768xf32> to vector<256x768xf32>
    %add3A_287 = arith.addf %mul3A_285, %add3A_286 : vector<256x768xf32>
    %get3A_288 = arith.constant 0 : index
    %get3A_289 = arith.constant 0 : index
    %get3A_290 = vector.load %arg19[%get3A_288, %get3A_289] : memref<768x768xbf16, #tpu.memory_space<vmem>>, vector<768x768xbf16>
    %convert_element_type3A_291 = arith.truncf %add3A_287 : vector<256x768xf32> to vector<256x768xbf16>
    %dot_general3A_292 = arith.constant dense<0.000000e+00> : vector<256x768xf32>
    %dot_general3A_293 = tpu.matmul %convert_element_type3A_291, %get3A_290, %dot_general3A_292 {dimension_numbers = #tpu.dot_dimension_numbers<[1], [0], [0], [1], [0, 0, 1, 1], [], []>, transpose_lhs_hint = false} : vector<256x768xbf16>, vector<768x768xbf16>, vector<256x768xf32> -> vector<256x768xf32>
    %get3A_294 = arith.constant 0 : index
    %get3A_295 = arith.constant 0 : index
    %get3A_296 = vector.load %arg20[%get3A_294, %get3A_295] : memref<1x768xf32, #tpu.memory_space<vmem>>, vector<1x768xf32>
    %add3A_297 = vector.broadcast %get3A_296 : vector<1x768xf32> to vector<256x768xf32>
    %add3A_298 = arith.addf %dot_general3A_293, %add3A_297 : vector<256x768xf32>
    %div3A_299 = arith.constant 1.41421354 : f32
    %div3A_300 = vector.broadcast %div3A_299 : f32 to vector<256x768xf32>
    %div3A_301 = arith.divf %add3A_298, %div3A_300 : vector<256x768xf32>
    %erf3A_302 = math.erf %div3A_301 : vector<256x768xf32>
    %add3A_303 = arith.constant 1.000000e+00 : f32
    %add3A_304 = vector.broadcast %add3A_303 : f32 to vector<256x768xf32>
    %add3A_305 = arith.addf %erf3A_302, %add3A_304 : vector<256x768xf32>
    %mul3A_306 = arith.mulf %add3A_298, %add3A_305 : vector<256x768xf32>
    %div3A_307 = arith.constant 2.000000e+00 : f32
    %div3A_308 = vector.broadcast %div3A_307 : f32 to vector<256x768xf32>
    %div3A_309 = arith.divf %mul3A_306, %div3A_308 : vector<256x768xf32>
    %get3A_310 = arith.constant 0 : index
    %get3A_311 = arith.constant 0 : index
    %get3A_312 = vector.load %arg21[%get3A_310, %get3A_311] : memref<768x768xbf16, #tpu.memory_space<vmem>>, vector<768x768xbf16>
    %convert_element_type3A_313 = arith.truncf %div3A_309 : vector<256x768xf32> to vector<256x768xbf16>
    %dot_general3A_314 = arith.constant dense<0.000000e+00> : vector<256x768xf32>
    %dot_general3A_315 = tpu.matmul %convert_element_type3A_313, %get3A_312, %dot_general3A_314 {dimension_numbers = #tpu.dot_dimension_numbers<[1], [0], [0], [1], [0, 0, 1, 1], [], []>, transpose_lhs_hint = false} : vector<256x768xbf16>, vector<768x768xbf16>, vector<256x768xf32> -> vector<256x768xf32>
    %get3A_316 = arith.constant 0 : index
    %get3A_317 = arith.constant 0 : index
    %get3A_318 = vector.load %arg22[%get3A_316, %get3A_317] : memref<1x768xf32, #tpu.memory_space<vmem>>, vector<1x768xf32>
    %add3A_319 = vector.broadcast %get3A_318 : vector<1x768xf32> to vector<256x768xf32>
    %add3A_320 = arith.addf %dot_general3A_315, %add3A_319 : vector<256x768xf32>
    %slice3A_321 = vector.extract_strided_slice %add3A_155 {offsets = [0, 768], sizes = [256, 768], strides = [1, 1]} : vector<256x1536xf32> to vector<256x768xf32>
    %get3A_322 = arith.constant 0 : index
    %get3A_323 = arith.constant 0 : index
    %get3A_324 = vector.load %arg24[%get3A_322, %get3A_323] : memref<1x1xf32, #tpu.memory_space<vmem>>, vector<1x1xf32>
    %get3A_325 = vector.extract %get3A_324[0, 0] : f32 from vector<1x1xf32>
    %mul3A_326 = vector.broadcast %get3A_325 : f32 to vector<256x768xf32>
    %mul3A_327 = arith.mulf %mul3A_326, %add3A_320 : vector<256x768xf32>
    %add3A_328 = arith.addf %slice3A_321, %mul3A_327 : vector<256x768xf32>
    %swap3A_329 = arith.constant 0 : index
    %swap3A_330 = arith.constant 768 : index
    %swap3A_331 = vector.load %arg25[%swap3A_329, %swap3A_330] : memref<256x1536xf32, #tpu.memory_space<vmem>>, vector<256x768xf32>
    tpu.vector_store %arg25[%swap3A_329, %swap3A_330], %add3A_328 {strides = array<i32>} : memref<256x1536xf32, #tpu.memory_space<vmem>>, vector<256x768xf32>,
    return
  }
  func.func @transform_0(%arg0: i32) -> (i32, i32) {
    %c0_i32 = arith.constant 0 : i32
    %c0_i32_0 = arith.constant 0 : i32
    return %arg0, %c0_i32 : i32, i32
  }
  func.func @transform_1(%arg0: i32) -> (i32, i32) {
    %c0_i32 = arith.constant 0 : i32
    %c0_i32_0 = arith.constant 0 : i32
    return %arg0, %c0_i32 : i32, i32
  }
  func.func @transform_2(%arg0: i32) -> (i32, i32) {
    %c0_i32 = arith.constant 0 : i32
    %c0_i32_0 = arith.constant 0 : i32
    return %arg0, %c0_i32 : i32, i32
  }
  func.func @transform_3(%arg0: i32) -> (i32, i32) {
    %c0_i32 = arith.constant 0 : i32
    %c0_i32_0 = arith.constant 0 : i32
    return %arg0, %c0_i32 : i32, i32
  }
  func.func @transform_4(%arg0: i32) -> (i32, i32) {
    %c0_i32 = arith.constant 0 : i32
    %c0_i32_0 = arith.constant 0 : i32
    %c0_i32_1 = arith.constant 0 : i32
    return %c0_i32, %c0_i32_0 : i32, i32
  }
  func.func @transform_5(%arg0: i32) -> (i32, i32) {
    %c0_i32 = arith.constant 0 : i32
    %c0_i32_0 = arith.constant 0 : i32
    %c0_i32_1 = arith.constant 0 : i32
    return %c0_i32, %c0_i32_0 : i32, i32
  }
  func.func @transform_6(%arg0: i32) -> (i32, i32) {
    %c0_i32 = arith.constant 0 : i32
    %c0_i32_0 = arith.constant 0 : i32
    %c0_i32_1 = arith.constant 0 : i32
    return %c0_i32, %c0_i32_0 : i32, i32
  }
  func.func @transform_7(%arg0: i32) -> (i32, i32) {
    %c0_i32 = arith.constant 0 : i32
    %c0_i32_0 = arith.constant 0 : i32
    %c0_i32_1 = arith.constant 0 : i32
    return %c0_i32, %c0_i32_0 : i32, i32
  }
  func.func @transform_8(%arg0: i32) -> (i32, i32) {
    %c0_i32 = arith.constant 0 : i32
    %c0_i32_0 = arith.constant 0 : i32
    %c0_i32_1 = arith.constant 0 : i32
    return %c0_i32, %c0_i32_0 : i32, i32
  }
  func.func @transform_9(%arg0: i32) -> (i32, i32) {
    %c0_i32 = arith.constant 0 : i32
    %c0_i32_0 = arith.constant 0 : i32
    %c0_i32_1 = arith.constant 0 : i32
    return %c0_i32, %c0_i32_0 : i32, i32
  }
  func.func @transform_10(%arg0: i32) -> (i32, i32) {
    %c0_i32 = arith.constant 0 : i32
    %c0_i32_0 = arith.constant 0 : i32
    %c0_i32_1 = arith.constant 0 : i32
    return %c0_i32, %c0_i32_0 : i32, i32
  }
  func.func @transform_11(%arg0: i32) -> (i32, i32) {
    %c0_i32 = arith.constant 0 : i32
    %c0_i32_0 = arith.constant 0 : i32
    %c0_i32_1 = arith.constant 0 : i32
    return %c0_i32, %c0_i32_0 : i32, i32
  }
  func.func @transform_12(%arg0: i32) -> (i32, i32) {
    %c0_i32 = arith.constant 0 : i32
    %c0_i32_0 = arith.constant 0 : i32
    %c0_i32_1 = arith.constant 0 : i32
    return %c0_i32, %c0_i32_0 : i32, i32
  }
  func.func @transform_13(%arg0: i32) -> (i32, i32) {
    %c0_i32 = arith.constant 0 : i32
    %c0_i32_0 = arith.constant 0 : i32
    %c0_i32_1 = arith.constant 0 : i32
    return %c0_i32, %c0_i32_0 : i32, i32
  }
  func.func @transform_14(%arg0: i32) -> (i32, i32) {
    %c0_i32 = arith.constant 0 : i32
    %c0_i32_0 = arith.constant 0 : i32
    %c0_i32_1 = arith.constant 0 : i32
    return %c0_i32, %c0_i32_0 : i32, i32
  }
  func.func @transform_15(%arg0: i32) -> (i32, i32) {
    %c0_i32 = arith.constant 0 : i32
    %c0_i32_0 = arith.constant 0 : i32
    %c0_i32_1 = arith.constant 0 : i32
    return %c0_i32, %c0_i32_0 : i32, i32
  }
  func.func @transform_16(%arg0: i32) -> (i32, i32) {
    %c0_i32 = arith.constant 0 : i32
    %c0_i32_0 = arith.constant 0 : i32
    %c0_i32_1 = arith.constant 0 : i32
    return %c0_i32, %c0_i32_0 : i32, i32
  }
  func.func @transform_17(%arg0: i32) -> (i32, i32) {
    %c0_i32 = arith.constant 0 : i32
    %c0_i32_0 = arith.constant 0 : i32
    %c0_i32_1 = arith.constant 0 : i32
    return %c0_i32, %c0_i32_0 : i32, i32
  }
  func.func @transform_18(%arg0: i32) -> (i32, i32) {
    %c0_i32 = arith.constant 0 : i32
    %c0_i32_0 = arith.constant 0 : i32
    %c0_i32_1 = arith.constant 0 : i32
    return %c0_i32, %c0_i32_0 : i32, i32
  }
  func.func @transform_19(%arg0: i32) -> (i32, i32) {
    %c0_i32 = arith.constant 0 : i32
    %c0_i32_0 = arith.constant 0 : i32
    %c0_i32_1 = arith.constant 0 : i32
    return %c0_i32, %c0_i32_0 : i32, i32
  }
  func.func @transform_20(%arg0: i32) -> (i32, i32) {
    %c0_i32 = arith.constant 0 : i32
    %c0_i32_0 = arith.constant 0 : i32
    %c0_i32_1 = arith.constant 0 : i32
    return %c0_i32, %c0_i32_0 : i32, i32
  }
  func.func @transform_21(%arg0: i32) -> (i32, i32) {
    %c0_i32 = arith.constant 0 : i32
    %c0_i32_0 = arith.constant 0 : i32
    %c0_i32_1 = arith.constant 0 : i32
    return %c0_i32, %c0_i32_0 : i32, i32
  }
  func.func @transform_22(%arg0: i32) -> (i32, i32) {
    %c0_i32 = arith.constant 0 : i32
    %c0_i32_0 = arith.constant 0 : i32
    %c0_i32_1 = arith.constant 0 : i32
    return %c0_i32, %c0_i32_0 : i32, i32
  }
  func.func @transform_23(%arg0: i32) -> (i32, i32) {
    %c0_i32 = arith.constant 0 : i32
    %c0_i32_0 = arith.constant 0 : i32
    %c0_i32_1 = arith.constant 0 : i32
    return %c0_i32, %c0_i32_0 : i32, i32
  }
  func.func @transform_24(%arg0: i32) -> (i32, i32) {
    %c0_i32 = arith.constant 0 : i32
    %c0_i32_0 = arith.constant 0 : i32
    return %arg0, %c0_i32 : i32, i32
  }
}

</mosaic_0001>

<sc_bundles>
// kernel: kernel.10.cloned.1.call-start
scs
__scs_entry_jumppad:
0x0: {  	(pc) =	sbr.rel $0x88, $3  }
0x1: {  	(tag) =	ssettag $0x0;
	lr =	simm.s32 $0x1  }
0x2: {  	[smem:$0x3F7B] =	sst lr;
	_ =	strace $0xD0000000  }
0x3: {  	_ = 	snop  }
0x4: {  	_ = 	snop  }
0x5: {  	_ = 	snop  }
0x6: {  	_ = 	snop  }
0x7: {  	_ = 	snop  }
__scs_overlays_trampoline_lowered:
0x8: {  	[smem:$0x3F8A] =	sst s0  }
0x9: {  	[smem:$0x3F8B] =	sst s1  }
0xa: {  	[smem:$0x3F8C] =	sst s2  }
0xb: {  	[smem:$0x3F8D] =	sst s3  }
0xc: {  	[smem:$0x3F8E] =	sst s4  }
0xd: {  	[smem:$0x3F8F] =	sst s5  }
0xe: {  	[smem:$0x3F90] =	sst s6  }
0xf: {  	[smem:$0x3F91] =	sst s7  }
0x10: {  	[smem:$0x3F92] =	sst s8  }
0x11: {  	[smem:$0x3F93] =	sst s9;
	s0 =	simm.s32 @!p0 $0x0  }
0x12: {  	s1 =	sld [smem:$0x3F79];
	s0 =	simm.s32 @p0 $0x1  }
0x13: {  	[smem:$0x3F94] =	sst s0;
	s0 =	simm.s32 @!p1 $0x0  }
0x14: {  	s2 =	sld [smem:$0x3F78];
	s0 =	simm.s32 @p1 $0x1  }
0x15: {  	[smem:$0x3F95] =	sst s0;
	s0 =	simm.s32 @!p2 $0x0  }
0x16: {  	s3 =	sld [smem:$0x3FDB];
	s0 =	simm.s32 @p2 $0x1  }
0x17: {  	s4 =	simm.s32 $0x1BF5;
	[smem:$0x3F97] =	sst s0  }
0x18: {  	s0 =	sld [smem:$0x3F7A];
	_ =	swait.ge [sflag:s4], $0x0  }
0x19: {  	s7 =	sld [smem:$0x3F7B]  }
0x1a: {  	s8 =	sadd.s32 $0xFFFFE003, lr  }
0x1b: {  	s9 =	sadd.s32 $0xFFFFFEF7, lr;
	s5 =	simm.s32 $0xFFFFFFFF;
	p2 =	slt.u32 s8, $0xFFFFF086  }
0x1c: {  	p1 =	slt.u32 s9, $0xF7A;
	s5 =	simm.s32 @!p2 $0x0  }
0x1d: {  	s5 =	simm.s32 @p1 $0x1;
	p0 =	seq.s32 s7, s2  }
0x1e: {  	s7 =	smul.u32 @!p0 $0xF7A, s2;
	p2 =	seq.s32 @!p0 s5, $0x0  }
0x1f: {  	s9 =	smul.u32 $0xF7A, s1;
	s8 =	simm.s32 @!p0 $0x1BF5;
	p2 =	por !p2, p0  }
0x20: {  	[sflag:s8] =	ssyncset.s32 @!p0 $0xFFFFF086;
	s6 =	sadd.s32 @!p0 s3, s7;
	s7 =	simm.s32 @!p0 $0x108  }
0x21: {  	s3 =	sadd.s32 s3, s9;
	s6 =	sadd.s32 @!p0 $0x88, s6;
	s7 =	simm.s32 @p2 $0x1082  }
0x22: {  	[simem:s7], [sflag:s8] =	dma.local @!p0 [hbm:s6], $0xF7A  }
0x23: {  	s9 =	sor.u32 $0xD0000000, s2;
	s6 =	simm.s32 $0x108;
	_ =	swait.ge @!p0 [sflag:s8], $0x0  }
0x24: {  	s3 =	sadd.s32 $0x88, s3;
	s6 =	simm.s32 @!p1 $0x1082;
	[sflag:s4] =	ssyncset.s32 $0xFFFFF086  }
0x25: {  	[simem:s6], [sflag:s4] =	dma.local [hbm:s3], $0xF7A  }
0x26: {  	[smem:$0x3F7B] =	sst s1;
	(tag) =	ssettag s2;
	_ =	strace s9  }
0x27: {  	s1 =	sld [smem:$0x3F8B]  }
0x28: {  	s2 =	sld [smem:$0x3F8C]  }
0x29: {  	s4 =	sld [smem:$0x3F8E]  }
0x2a: {  	p0 =	seq.s32 s5, $0x0;
	s5 =	sld [smem:$0x3F8F]  }
0x2b: {  	s6 =	sld [smem:$0x3F90]  }
0x2c: {  	s7 =	sld [smem:$0x3F91]  }
0x2d: {  	s3 =	simm.s32 $0x108;
	s8 =	sld [smem:$0x3F92]  }
0x2e: {  	s3 =	simm.s32 @!p0 $0x1082;
	s9 =	sld [smem:$0x3F93]  }
0x2f: {  	lr =	sadd.s32 s0, s3;
	s0 =	sld [smem:$0x3F8A]  }
0x30: {  	s3 =	sld [smem:$0x3F8D]  }
0x31: {  	[smem:$0x3F96] =	sst s10  }
0x32: {  	s10 =	sld [smem:$0x3F94];
	_ =	sdelay $0x3  }
0x33: {  	p0 =	seq.s32 s10, $0x1;
	s10 =	sld [smem:$0x3F96];
	_ =	sdelay $0x3  }
0x34: {  	[smem:$0x3F96] =	sst s10  }
0x35: {  	s10 =	sld [smem:$0x3F95];
	_ =	sdelay $0x3  }
0x36: {  	p1 =	seq.s32 s10, $0x1;
	s10 =	sld [smem:$0x3F96];
	_ =	sdelay $0x3  }
0x37: {  	[smem:$0x3F96] =	sst s10  }
0x38: {  	s10 =	sld [smem:$0x3F97]  }
0x39: {  	_ = 	snop;
	(pc) =	sbr.ind lr, $3  }
0x3a: {  	_ = 	snop  }
0x3b: {  	_ = 	snop  }
0x3c: {  	p2 =	seq.s32 s10, $0x1;
	s10 =	sld [smem:$0x3F96]  }
0x3d: {  	_ =	shalt  }
0x3e: {  	_ =	shalt  }
0x3f: {  	_ =	shalt  }
0x40: {  	_ =	shalt  }
0x41: {  	_ =	shalt  }
0x42: {  	_ =	shalt  }
0x43: {  	_ =	shalt  }
0x44: {  	_ =	shalt  }
0x45: {  	_ =	shalt  }
0x46: {  	_ =	shalt  }
0x47: {  	_ =	shalt  }
0x48: {  	_ =	shalt  }
0x49: {  	_ =	shalt  }
0x4a: {  	_ =	shalt  }
0x4b: {  	_ =	shalt  }
0x4c: {  	_ =	shalt  }
0x4d: {  	_ =	shalt  }
0x4e: {  	_ =	shalt  }
0x4f: {  	_ =	shalt  }
0x50: {  	_ =	shalt  }
0x51: {  	_ =	shalt  }
0x52: {  	_ =	shalt  }
0x53: {  	_ =	shalt  }
0x54: {  	_ =	shalt  }
0x55: {  	_ =	shalt  }
0x56: {  	_ =	shalt  }
0x57: {  	_ =	shalt  }
0x58: {  	_ =	shalt  }
0x59: {  	_ =	shalt  }
0x5a: {  	_ =	shalt  }
0x5b: {  	_ =	shalt  }
0x5c: {  	_ =	shalt  }
0x5d: {  	_ =	shalt  }
0x5e: {  	_ =	shalt  }
0x5f: {  	_ =	shalt  }
0x60: {  	_ =	shalt  }
0x61: {  	_ =	shalt  }
0x62: {  	_ =	shalt  }
0x63: {  	_ =	shalt  }
0x64: {  	_ =	shalt  }
0x65: {  	_ =	shalt  }
0x66: {  	_ =	shalt  }
0x67: {  	_ =	shalt  }
0x68: {  	_ =	shalt  }
0x69: {  	_ =	shalt  }
0x6a: {  	_ =	shalt  }
0x6b: {  	_ =	shalt  }
0x6c: {  	_ =	shalt  }
0x6d: {  	_ =	shalt  }
0x6e: {  	_ =	shalt  }
0x6f: {  	_ =	shalt  }
0x70: {  	_ =	shalt  }
0x71: {  	_ =	shalt  }
0x72: {  	_ =	shalt  }
0x73: {  	_ =	shalt  }
0x74: {  	_ =	shalt  }
0x75: {  	_ =	shalt  }
0x76: {  	_ =	shalt  }
0x77: {  	_ =	shalt  }
0x78: {  	_ =	shalt  }
0x79: {  	_ =	shalt  }
0x7a: {  	_ =	shalt  }
0x7b: {  	_ =	shalt  }
0x7c: {  	_ =	shalt  }
0x7d: {  	_ =	shalt  }
0x7e: {  	_ =	shalt  }
0x7f: {  	_ =	shalt  }
0x80: {  	_ =	shalt  }
0x81: {  	_ =	shalt  }
0x82: {  	_ =	shalt  }
0x83: {  	_ =	shalt  }
0x84: {  	_ =	shalt  }
0x85: {  	_ =	shalt  }
0x86: {  	_ =	shalt  }
0x87: {  	_ =	shalt  }
.Lfunc_end0:
.L_simem_size_0:
called_computation.1_lowered:
.L_overlay_start_0:
0x88: {  	s2 =	sld [smem:$0x3FD9]  }
0x89: {  	s3 =	sld [smem:$0x3FFE];
	_ =	sdelay $0x1  }
0x8a: {  	s1 =	srdreg.scid  }
0x8b: {  	s0 =	sand.u32 $0x1, s1  }
0x8c: {  	s16 =	sshll.u32 s0, $0xA;
	s2 =	sadd.s32 s3, s2  }
0x8d: {  	s2 =	sadd.s32 s2, s16  }
0x8e: {  	[smem:$0x3FA2] =	sst s2  }
0x8f: {  	_ = 	snop  }
0x90: {  	(tm) =	ssettm $0x1  }
0x91: {  	s17 =	sld [smem:$0x3FFB];
	_ =	sdelay $0x3  }
0x92: {  	_ =	strace s17  }
0x93: {  	s2 =	sld [smem:$0x3FFC];
	_ =	sdelay $0x3  }
0x94: {  	_ =	strace s2  }
0x95: {  	s2 =	sld [smem:$0x3FFD];
	_ =	sdelay $0x3  }
0x96: {  	_ =	strace s2  }
0x97: {  	_ =	strace $0x8FFFFFFF  }
0x98: {  	s18 =	sld [smem:$0x3FDB];
	_ =	sdelay $0x1  }
0x99: {  	s19 =	simm.s32 $_scs_section_size  }
0x9a: {  	s4 =	simm.s32 $_size__tile_overlayer_lowered;
	s5 =	simm.s32 $_tile_overlayer_lowered  }
0x9b: {  	s22 =	simm.s32 $0x1BFF;
	s21 =	sshll.u32 s5, $0x1;
	s2 =	sadd.s32 s19, s18  }
0x9c: {  	s6 =	simm.s32 $0x0;
	s20 =	sshll.u32 s4, $0x1;
	s4 =	sadd.s32 s21, s2  }
0x9d: {  	[timem:s6], [sflag:s22] =	dma.local [hbm:s4], s20  }
0x9e: {  	_ =	swait.ge [sflag:s22], s20  }
0x9f: {  	s3 =	ssub.s32 $0x0, s20;
	[sflag:s22] =	ssyncset.done $0x0  }
0xa0: {  	[sflag:s22] =	ssyncadd.s32 s3;
	_ =	sdelay $0x1  }
0xa1: {  	s23 =	simm.s32 $0x1B8B  }
0xa2: {  	_ =	swait.ge [sflag:s23], $0x1  }
0xa3: {  	[sflag:s23] =	ssyncset.done $0x0  }
0xa4: {  	s25 =	simm.s32 $0x1B8E;
	s24 =	sld [smem:$0x3FFE];
	[sflag:s23] =	ssyncadd.s32 $0xFFFFFFFF  }
0xa5: {  	s26 =	simm.s32 $execute0_lowered;
	[smem:$0x3FD2] =	sst s25  }
0xa6: {  	s4 =	sshll.u32 s26, $0x1;
	_ =	strace $0x80000049;
	[dreg:$0x1] =	wrdreg $0xFFFFFFFF  }
0xa7: {  	s28 =	simm.s32 $_size_execute0_lowered;
	s2 =	sadd.s32 s2, s4;
	[dreg:$0x0] =	wrdreg $0x0  }
0xa8: {  	s4 =	sshll.u32 s28, $0x1;
	[dreg:$0x2] =	wrdreg s2  }
0xa9: {  	[dreg:$0x3] =	wrdreg s4  }
0xaa: {  	[dreg:$0x4] =	wrdreg $0xC0  }
0xab: {  	_ =	task [dreg:s6], $0x5FFFF  }
0xac: {  	[dreg:$0x1] =	wrdreg $0xFFFFFFFF  }
0xad: {  	[dreg:$0x0] =	wrdreg $0x60  }
0xae: {  	[dreg:$0x2] =	wrdreg s24  }
0xaf: {  	[dreg:$0x3] =	wrdreg $0x9  }
0xb0: {  	_ =	task.clear_ibuf [dreg:s6], $0x4FFFF;
	_ =	strace $0x90000049  }
0xb1: {  	s29 =	simm.s32 $0x9;
	_ =	strace $0x8000004B  }
0xb2: {  	_ =	swait.ge [sflag:s29], $0x1  }
0xb3: {  	[sflag:s29] =	ssyncadd.s32 $0xFFFFFFFF  }
0xb4: {  	_ =	strace $0x9000004B  }
0xb5: {  	_ =	sfence  }
0xb6: {  	s30 =	sld [smem:$0x0];
	_ =	sdelay $0x2  }
0xb7: {  	s31 =	sshll.u32 s1, $0xD;
	s1 =	sshrl.u32 s1, $0x2  }
0xb8: {  	s3 =	sand.u32 $0x4000, s31;
	s1 =	sadd.s32 s1, s30  }
0xb9: {  	s0 =	sor.u32 s3, s0;
	s1 =	sshll.u32 s1, $0x11  }
0xba: {  	s0 =	sor.u32 s1, s0  }
0xbb: {  	s0 =	sadd.s32 $0x8F2B, s0  }
0xbc: {  	[sflag:s0] =	ssyncadd.remote.s32 $0x1  }
0xbd: {  	_ =	sfence.sel $0xFFFF  }
0xbe: {  	[dreg:$0x0] =	wrdreg $0xFFFFFFFF;
	(pc) =	sbr.abs _section_cstart, $3  }
0xbf: {  	[dreg:$0x1] =	wrdreg $0xFFFFFFFF  }
0xc0: {  	_ =	task.clear_ibuf [dreg:s6], $0x2FFFF;
	_ =	strace $0x9FFFFFFF  }
0xc1: {  	(tm) =	ssettm $0x7FFFFFFF  }
tec
execute0_lowered:
.L_overlay_start_1:
0x0: {  	(tag) =	ssettag $0x1  }
0x1: {  	s0 =	rddreg [dreg:$0x0]  }
0x2: {  	s2 =	srdreg.scid;
	s1 =	stileid.u32  }
0x3: {  	s8 =	simm.s32 $0x80;
	s26 =	simm.s32 $0x880;
	s9 =	simm.s32 $0x1080  }
0x4: {  	s10 =	simm.s32 $0x1880;
	s11 =	simm.s32 $0x2080;
	s12 =	simm.s32 $0x2880  }
0x5: {  	s13 =	simm.s32 $0x3080;
	s14 =	simm.s32 $0x3880;
	s15 =	simm.s32 $0x4080  }
0x6: {  	s16 =	simm.s32 $0x4880;
	s17 =	simm.s32 $0x5080;
	s18 =	simm.s32 $0x5880  }
0x7: {  	s19 =	simm.s32 $0x6080;
	s20 =	simm.s32 $0x6880;
	s21 =	simm.s32 $0x7080  }
0x8: {  	s22 =	simm.s32 $0x7880;
	s23 =	simm.s32 $0x8080;
	s24 =	simm.s32 $0x8880  }
0x9: {  	s28 =	simm.s32 $0xA080;
	s29 =	simm.s32 $0xA880;
	s30 =	simm.s32 $0xB080  }
0xa: {  	s31 =	simm.s32 $0xB880;
	s3 =	sand.u32 $0x1, s2;
	s2 =	simm.s32 $0x0  }
0xb: {  	s4 =	sshll.u32 s1, $0x4;
	s5 =	sshll.u32 s3, $0x3;
	[smem:$0x7FF] =	sst s2  }
0xc: {  	s6 =	ssub.s32 $0x2, s3;
	s3 =	sadd.s32 $0x96400, s0;
	s4 =	sor.u32 s5, s4  }
0xd: {  	_ =	strace $0x8000004A;
	s7 =	sshrl.u32 s6, $0x1;
	[dreg:$0x4] =	wrdreg s26  }
0xe: {  	s26 =	simm.s32 $0x9880;
	s5 =	smul.u32 $0x300, s4;
	s4 =	sadd.s32 s4, s0  }
0xf: {  	s6 =	ssub.s32 s6, s7;
	s7 =	simm.s32 $0x2;
	s4 =	sadd.s32 $0x36200, s4  }
0x10: {  	v2 =	vlaneseq.u32;
	s6 =	smax.u32 s6, $0x1;
	s5 =	sadd.s32 s5, s0;
	[dreg:$0x2] =	wrdreg s4  }
0x11: {  	vm0 =	vmmov $0xffff;
	v1 =	vshrl.u32 v2, $0x3;
	s4 =	sadd.s32 $0x96500, s0;
	s25 =	sadd.s32 $0x6200, s5;
	s5 =	sadd.s32 $0x96600, s0  }
0x12: {  	v0 =	vand.u32 $0x7, v2;
	v2 =	vor.u32 $0x8, v2;
	v1 =	vmul.u32 $0x8, v1;
	s0 =	simm.s32 $0x1;
	[dreg:$0x3] =	wrdreg s25;
	s25 =	simm.s32 $0x9080  }
.LBB2_1:
0x13: {  	s1 =	rddreg [dreg:$0x2]  }
0x14: {  	[tilespmem:s2], [sflag:$0x2] =	stream.linear.gather [hbm4b:s1+s2], $0x40, $0x38;
	[tilespmem:$0xC080] =	vst v63  }
0x15: {  	_ =	swait.ge [sflag:s7], $0x40  }
0x16: {  	[sflag:s7] =	ssyncset.done $0x0  }
0x17: {  	[sflag:s7] =	ssyncadd.s32 $0xFFFFFFC0  }
0x18: {  	v3 =	vld [tilespmem:$0x0];
	_ =	sdelay $0x4  }
0x19: {  	v4 =	vshrl.u32 v3, $0x3  }
0x1a: {  	v4 =	vmul.u32 $0x30, v4  }
0x1b: {  	v3 =	vand.u32 $0x7, v3  }
0x1c: {  	v3 =	vor.u32 v3, v4  }
0x1d: {  	v4 =	vperm.xlane v3, v0;
	_ =	sdelay $0x1  }
0x1e: {  	v4 =	vadd.s32 v1, v4;
	_ =	sdelay $0x3  }
0x1f: {  	v3 =	vperm.xlane v3, v2  }
0x20: {  	[tilespmem:s8], [sflag:$0x1] =	stream.indirect_vreg.gather [hbm4b:s3+s2], $0x80, v4, vm0, $0xb8;
	[tilespmem:$0xC080] =	vst v63  }
0x21: {  	s1 =	rddreg [dreg:$0x4];
	v3 =	vadd.s32 v1, v3  }
0x22: {  	[tilespmem:s1], [sflag:$0x1] =	stream.indirect_vreg.gather [hbm4b:s4+s2], $0x80, v4, vm0, $0xb8;
	[tilespmem:$0xC080] =	vst v63  }
0x23: {  	_ = 	snop  }
0x24: {  	[tilespmem:s9], [sflag:$0x1] =	stream.indirect_vreg.gather [hbm4b:s5+s2], $0x80, v4, vm0, $0xb8;
	[tilespmem:$0xC080] =	vst v63  }
0x25: {  	_ = 	snop  }
0x26: {  	[tilespmem:s10], [sflag:$0x1] =	stream.indirect_vreg.gather [hbm4b:s3+s2], $0x80, v3, vm0, $0xb8;
	[tilespmem:$0xC080] =	vst v63  }
0x27: {  	_ = 	snop  }
0x28: {  	[tilespmem:s11], [sflag:$0x1] =	stream.indirect_vreg.gather [hbm4b:s4+s2], $0x80, v3, vm0, $0xb8;
	[tilespmem:$0xC080] =	vst v63  }
0x29: {  	_ = 	snop  }
0x2a: {  	[tilespmem:s12], [sflag:$0x1] =	stream.indirect_vreg.gather [hbm4b:s5+s2], $0x80, v3, vm0, $0xb8;
	[tilespmem:$0xC080] =	vst v63  }
0x2b: {  	v3 =	vld [tilespmem:$0x10];
	_ =	sdelay $0x4  }
0x2c: {  	v61 =	vshrl.u32 v3, $0x3  }
0x2d: {  	v4 =	vmul.u32 $0x30, v61  }
0x2e: {  	v3 =	vand.u32 $0x7, v3  }
0x2f: {  	v3 =	vor.u32 v3, v4  }
0x30: {  	v4 =	vperm.xlane v3, v0;
	_ =	sdelay $0x1  }
0x31: {  	v4 =	vadd.s32 v1, v4;
	_ =	sdelay $0x3  }
0x32: {  	v3 =	vperm.xlane v3, v2  }
0x33: {  	[tilespmem:s13], [sflag:$0x1] =	stream.indirect_vreg.gather [hbm4b:s3+s2], $0x80, v4, vm0, $0xb8;
	[tilespmem:$0xC080] =	vst v63  }
0x34: {  	v3 =	vadd.s32 v1, v3  }
0x35: {  	[tilespmem:s14], [sflag:$0x1] =	stream.indirect_vreg.gather [hbm4b:s4+s2], $0x80, v4, vm0, $0xb8;
	[tilespmem:$0xC080] =	vst v63  }
0x36: {  	_ = 	snop  }
0x37: {  	[tilespmem:s15], [sflag:$0x1] =	stream.indirect_vreg.gather [hbm4b:s5+s2], $0x80, v4, vm0, $0xb8;
	[tilespmem:$0xC080] =	vst v63  }
0x38: {  	_ = 	snop  }
0x39: {  	[tilespmem:s16], [sflag:$0x1] =	stream.indirect_vreg.gather [hbm4b:s3+s2], $0x80, v3, vm0, $0xb8;
	[tilespmem:$0xC080] =	vst v63  }
0x3a: {  	_ = 	snop  }
0x3b: {  	[tilespmem:s17], [sflag:$0x1] =	stream.indirect_vreg.gather [hbm4b:s4+s2], $0x80, v3, vm0, $0xb8;
	[tilespmem:$0xC080] =	vst v63  }
0x3c: {  	_ = 	snop  }
0x3d: {  	[tilespmem:s18], [sflag:$0x1] =	stream.indirect_vreg.gather [hbm4b:s5+s2], $0x80, v3, vm0, $0xb8;
	[tilespmem:$0xC080] =	vst v63  }
0x3e: {  	v3 =	vld [tilespmem:$0x20];
	_ =	sdelay $0x4  }
0x3f: {  	v62 =	vshrl.u32 v3, $0x3  }
0x40: {  	v4 =	vmul.u32 $0x30, v62  }
0x41: {  	v3 =	vand.u32 $0x7, v3  }
0x42: {  	v3 =	vor.u32 v3, v4  }
0x43: {  	v4 =	vperm.xlane v3, v0;
	_ =	sdelay $0x1  }
0x44: {  	v4 =	vadd.s32 v1, v4;
	_ =	sdelay $0x3  }
0x45: {  	v3 =	vperm.xlane v3, v2  }
0x46: {  	[tilespmem:s19], [sflag:$0x1] =	stream.indirect_vreg.gather [hbm4b:s3+s2], $0x80, v4, vm0, $0xb8;
	[tilespmem:$0xC080] =	vst v63  }
0x47: {  	v3 =	vadd.s32 v1, v3  }
0x48: {  	[tilespmem:s20], [sflag:$0x1] =	stream.indirect_vreg.gather [hbm4b:s4+s2], $0x80, v4, vm0, $0xb8;
	[tilespmem:$0xC080] =	vst v63  }
0x49: {  	_ = 	snop  }
0x4a: {  	[tilespmem:s21], [sflag:$0x1] =	stream.indirect_vreg.gather [hbm4b:s5+s2], $0x80, v4, vm0, $0xb8;
	[tilespmem:$0xC080] =	vst v63  }
0x4b: {  	_ = 	snop  }
0x4c: {  	[tilespmem:s22], [sflag:$0x1] =	stream.indirect_vreg.gather [hbm4b:s3+s2], $0x80, v3, vm0, $0xb8;
	[tilespmem:$0xC080] =	vst v63  }
0x4d: {  	_ = 	snop  }
0x4e: {  	[tilespmem:s23], [sflag:$0x1] =	stream.indirect_vreg.gather [hbm4b:s4+s2], $0x80, v3, vm0, $0xb8;
	[tilespmem:$0xC080] =	vst v63  }
0x4f: {  	_ = 	snop  }
0x50: {  	[tilespmem:s24], [sflag:$0x1] =	stream.indirect_vreg.gather [hbm4b:s5+s2], $0x80, v3, vm0, $0xb8;
	[tilespmem:$0xC080] =	vst v63  }
0x51: {  	v3 =	vld [tilespmem:$0x30];
	_ =	sdelay $0x4  }
0x52: {  	v63 =	vshrl.u32 v3, $0x3  }
0x53: {  	v4 =	vmul.u32 $0x30, v63  }
0x54: {  	v3 =	vand.u32 $0x7, v3  }
0x55: {  	v3 =	vor.u32 v3, v4  }
0x56: {  	v4 =	vperm.xlane v3, v0;
	_ =	sdelay $0x1  }
0x57: {  	v4 =	vadd.s32 v1, v4;
	_ =	sdelay $0x3  }
0x58: {  	v3 =	vperm.xlane v3, v2  }
0x59: {  	[tilespmem:s25], [sflag:$0x1] =	stream.indirect_vreg.gather [hbm4b:s3+s2], $0x80, v4, vm0, $0xb8;
	[tilespmem:$0xC080] =	vst v63  }
0x5a: {  	v3 =	vadd.s32 v1, v3  }
0x5b: {  	[tilespmem:s26], [sflag:$0x1] =	stream.indirect_vreg.gather [hbm4b:s4+s2], $0x80, v4, vm0, $0xb8;
	[tilespmem:$0xC080] =	vst v63  }
0x5c: {  	_ = 	snop  }
0x5d: {  	[tilespmem:s28], [sflag:$0x1] =	stream.indirect_vreg.gather [hbm4b:s5+s2], $0x80, v4, vm0, $0xb8;
	[tilespmem:$0xC080] =	vst v63  }
0x5e: {  	_ = 	snop  }
0x5f: {  	[tilespmem:s29], [sflag:$0x1] =	stream.indirect_vreg.gather [hbm4b:s3+s2], $0x80, v3, vm0, $0xb8;
	[tilespmem:$0xC080] =	vst v63  }
0x60: {  	_ = 	snop  }
0x61: {  	[tilespmem:s30], [sflag:$0x1] =	stream.indirect_vreg.gather [hbm4b:s4+s2], $0x80, v3, vm0, $0xb8;
	[tilespmem:$0xC080] =	vst v63  }
0x62: {  	_ = 	snop  }
0x63: {  	[tilespmem:s31], [sflag:$0x1] =	stream.indirect_vreg.gather [hbm4b:s5+s2], $0x80, v3, vm0, $0xb8;
	[tilespmem:$0xC080] =	vst v63  }
0x64: {  	_ =	swait.ge [sflag:s0], $0xC000  }
0x65: {  	p0 =	sne.s32 s6, $0x1;
	[sflag:s0] =	ssyncset.done $0x0  }
.Ltmp0:
0x66: {  	s1 =	rddreg [dreg:$0x3];
	[sflag:s0] =	ssyncadd.s32 $0xFFFF4000;
	(pc) =	sbr.rel @p0 .LBB2_1-.Ltmp0, $4  }
0x67: {  	[hbm4b:s1+s2] =	stream.linear.scatter [tilespmem:s8], [sflag:$0x2], $0xC000, $0x38;
	[tilespmem:$0xC080] =	vst v63  }
0x68: {  	_ =	swait.ge [sflag:s7], $0xC000  }
0x69: {  	[sflag:s7] =	ssyncset.done $0x0  }
0x6a: {  	s6 =	sadd.s32 $0xFFFFFFFF, s6;
	[sflag:s7] =	ssyncadd.s32 $0xFFFF4000  }
0x6b: {  	_ =	sfence.sel $0x180000  }
0x6c: {  	[bflag:$0x0] =	sbarrier.arrive $0xFFFF  }
0x6d: {  	_ =	strace $0x9000004A  }
0x6e: {  	s0 =	stileid.u32;
	[bflag:$0x2] =	sbarrier.arrive $0xFFFF  }
0x6f: {  	p0 =	sne.s32 s0, $0x0;
	s0 =	rddreg [dreg:$0x1]  }
0x70: {  	s0 =	sadd.s32 @!p0 $0x100000, s0  }
0x71: {  	[sflag:s0] =	ssyncadd.tile.s32 @!p0 $0x1;
	_ =	shalt  }
.Lfunc_end2:
_tile_overlayer_lowered:
.L_overlay_start_2:
0x72: {  	(tag) =	ssettag $0x2  }
0x73: {  	s0 =	rddreg [dreg:$0x0];
	s2 =	stileid.u32  }
0x74: {  	s1 =	rddreg [dreg:$0x1];
	p0 =	sne.s32 s2, $0x0  }
0x75: {  	s3 =	rddreg [dreg:$0x2];
	[bflag:$0x3] =	sbarrier.arrive $0xFFFF;
	s2 =	simm.s32 @!p0 $0x1C02  }
0x76: {  	[timem:s3], [sflag:s2] =	dma.local @!p0 [hbm:s0], s1  }
0x77: {  	s0 =	simm.s32 @!p0 $0x2  }
0x78: {  	_ =	swait.ge @!p0 [sflag:s0], s1  }
0x79: {  	s1 =	ssub.s32 @!p0 $0x0, s1;
	[sflag:s0] =	ssyncset.done @!p0 $0x0  }
0x7a: {  	[sflag:s0] =	ssyncadd.s32 @!p0 s1  }
0x7b: {  	[bflag:$0x3] =	sbarrier.arrive $0xFFFF  }
0x7c: {  	_ =	shalt  }

// kernel: kernel.7.cloned.1.call-start
scs
__scs_entry_jumppad:
0x0: {  	(pc) =	sbr.rel $0x88, $3  }
0x1: {  	(tag) =	ssettag $0x0;
	lr =	simm.s32 $0x1  }
0x2: {  	[smem:$0x3F7B] =	sst lr;
	_ =	strace $0xD0000000  }
0x3: {  	_ = 	snop  }
0x4: {  	_ = 	snop  }
0x5: {  	_ = 	snop  }
0x6: {  	_ = 	snop  }
0x7: {  	_ = 	snop  }
__scs_overlays_trampoline_lowered:
0x8: {  	[smem:$0x3F8A] =	sst s0  }
0x9: {  	[smem:$0x3F8B] =	sst s1  }
0xa: {  	[smem:$0x3F8C] =	sst s2  }
0xb: {  	[smem:$0x3F8D] =	sst s3  }
0xc: {  	[smem:$0x3F8E] =	sst s4  }
0xd: {  	[smem:$0x3F8F] =	sst s5  }
0xe: {  	[smem:$0x3F90] =	sst s6  }
0xf: {  	[smem:$0x3F91] =	sst s7  }
0x10: {  	[smem:$0x3F92] =	sst s8  }
0x11: {  	[smem:$0x3F93] =	sst s9;
	s0 =	simm.s32 @!p0 $0x0  }
0x12: {  	s1 =	sld [smem:$0x3F79];
	s0 =	simm.s32 @p0 $0x1  }
0x13: {  	[smem:$0x3F94] =	sst s0;
	s0 =	simm.s32 @!p1 $0x0  }
0x14: {  	s2 =	sld [smem:$0x3F78];
	s0 =	simm.s32 @p1 $0x1  }
0x15: {  	[smem:$0x3F95] =	sst s0;
	s0 =	simm.s32 @!p2 $0x0  }
0x16: {  	s3 =	sld [smem:$0x3FDB];
	s0 =	simm.s32 @p2 $0x1  }
0x17: {  	s4 =	simm.s32 $0x1BF5;
	[smem:$0x3F97] =	sst s0  }
0x18: {  	s0 =	sld [smem:$0x3F7A];
	_ =	swait.ge [sflag:s4], $0x0  }
0x19: {  	s7 =	sld [smem:$0x3F7B]  }
0x1a: {  	s8 =	sadd.s32 $0xFFFFE003, lr  }
0x1b: {  	s9 =	sadd.s32 $0xFFFFFEF7, lr;
	s5 =	simm.s32 $0xFFFFFFFF;
	p2 =	slt.u32 s8, $0xFFFFF086  }
0x1c: {  	p1 =	slt.u32 s9, $0xF7A;
	s5 =	simm.s32 @!p2 $0x0  }
0x1d: {  	s5 =	simm.s32 @p1 $0x1;
	p0 =	seq.s32 s7, s2  }
0x1e: {  	s7 =	smul.u32 @!p0 $0xF7A, s2;
	p2 =	seq.s32 @!p0 s5, $0x0  }
0x1f: {  	s9 =	smul.u32 $0xF7A, s1;
	s8 =	simm.s32 @!p0 $0x1BF5;
	p2 =	por !p2, p0  }
0x20: {  	[sflag:s8] =	ssyncset.s32 @!p0 $0xFFFFF086;
	s6 =	sadd.s32 @!p0 s3, s7;
	s7 =	simm.s32 @!p0 $0x108  }
0x21: {  	s3 =	sadd.s32 s3, s9;
	s6 =	sadd.s32 @!p0 $0x88, s6;
	s7 =	simm.s32 @p2 $0x1082  }
0x22: {  	[simem:s7], [sflag:s8] =	dma.local @!p0 [hbm:s6], $0xF7A  }
0x23: {  	s9 =	sor.u32 $0xD0000000, s2;
	s6 =	simm.s32 $0x108;
	_ =	swait.ge @!p0 [sflag:s8], $0x0  }
0x24: {  	s3 =	sadd.s32 $0x88, s3;
	s6 =	simm.s32 @!p1 $0x1082;
	[sflag:s4] =	ssyncset.s32 $0xFFFFF086  }
0x25: {  	[simem:s6], [sflag:s4] =	dma.local [hbm:s3], $0xF7A  }
0x26: {  	[smem:$0x3F7B] =	sst s1;
	(tag) =	ssettag s2;
	_ =	strace s9  }
0x27: {  	s1 =	sld [smem:$0x3F8B]  }
0x28: {  	s2 =	sld [smem:$0x3F8C]  }
0x29: {  	s4 =	sld [smem:$0x3F8E]  }
0x2a: {  	p0 =	seq.s32 s5, $0x0;
	s5 =	sld [smem:$0x3F8F]  }
0x2b: {  	s6 =	sld [smem:$0x3F90]  }
0x2c: {  	s7 =	sld [smem:$0x3F91]  }
0x2d: {  	s3 =	simm.s32 $0x108;
	s8 =	sld [smem:$0x3F92]  }
0x2e: {  	s3 =	simm.s32 @!p0 $0x1082;
	s9 =	sld [smem:$0x3F93]  }
0x2f: {  	lr =	sadd.s32 s0, s3;
	s0 =	sld [smem:$0x3F8A]  }
0x30: {  	s3 =	sld [smem:$0x3F8D]  }
0x31: {  	[smem:$0x3F96] =	sst s10  }
0x32: {  	s10 =	sld [smem:$0x3F94];
	_ =	sdelay $0x3  }
0x33: {  	p0 =	seq.s32 s10, $0x1;
	s10 =	sld [smem:$0x3F96];
	_ =	sdelay $0x3  }
0x34: {  	[smem:$0x3F96] =	sst s10  }
0x35: {  	s10 =	sld [smem:$0x3F95];
	_ =	sdelay $0x3  }
0x36: {  	p1 =	seq.s32 s10, $0x1;
	s10 =	sld [smem:$0x3F96];
	_ =	sdelay $0x3  }
0x37: {  	[smem:$0x3F96] =	sst s10  }
0x38: {  	s10 =	sld [smem:$0x3F97]  }
0x39: {  	_ = 	snop;
	(pc) =	sbr.ind lr, $3  }
0x3a: {  	_ = 	snop  }
0x3b: {  	_ = 	snop  }
0x3c: {  	p2 =	seq.s32 s10, $0x1;
	s10 =	sld [smem:$0x3F96]  }
0x3d: {  	_ =	shalt  }
0x3e: {  	_ =	shalt  }
0x3f: {  	_ =	shalt  }
0x40: {  	_ =	shalt  }
0x41: {  	_ =	shalt  }
0x42: {  	_ =	shalt  }
0x43: {  	_ =	shalt  }
0x44: {  	_ =	shalt  }
0x45: {  	_ =	shalt  }
0x46: {  	_ =	shalt  }
0x47: {  	_ =	shalt  }
0x48: {  	_ =	shalt  }
0x49: {  	_ =	shalt  }
0x4a: {  	_ =	shalt  }
0x4b: {  	_ =	shalt  }
0x4c: {  	_ =	shalt  }
0x4d: {  	_ =	shalt  }
0x4e: {  	_ =	shalt  }
0x4f: {  	_ =	shalt  }
0x50: {  	_ =	shalt  }
0x51: {  	_ =	shalt  }
0x52: {  	_ =	shalt  }
0x53: {  	_ =	shalt  }
0x54: {  	_ =	shalt  }
0x55: {  	_ =	shalt  }
0x56: {  	_ =	shalt  }
0x57: {  	_ =	shalt  }
0x58: {  	_ =	shalt  }
0x59: {  	_ =	shalt  }
0x5a: {  	_ =	shalt  }
0x5b: {  	_ =	shalt  }
0x5c: {  	_ =	shalt  }
0x5d: {  	_ =	shalt  }
0x5e: {  	_ =	shalt  }
0x5f: {  	_ =	shalt  }
0x60: {  	_ =	shalt  }
0x61: {  	_ =	shalt  }
0x62: {  	_ =	shalt  }
0x63: {  	_ =	shalt  }
0x64: {  	_ =	shalt  }
0x65: {  	_ =	shalt  }
0x66: {  	_ =	shalt  }
0x67: {  	_ =	shalt  }
0x68: {  	_ =	shalt  }
0x69: {  	_ =	shalt  }
0x6a: {  	_ =	shalt  }
0x6b: {  	_ =	shalt  }
0x6c: {  	_ =	shalt  }
0x6d: {  	_ =	shalt  }
0x6e: {  	_ =	shalt  }
0x6f: {  	_ =	shalt  }
0x70: {  	_ =	shalt  }
0x71: {  	_ =	shalt  }
0x72: {  	_ =	shalt  }
0x73: {  	_ =	shalt  }
0x74: {  	_ =	shalt  }
0x75: {  	_ =	shalt  }
0x76: {  	_ =	shalt  }
0x77: {  	_ =	shalt  }
0x78: {  	_ =	shalt  }
0x79: {  	_ =	shalt  }
0x7a: {  	_ =	shalt  }
0x7b: {  	_ =	shalt  }
0x7c: {  	_ =	shalt  }
0x7d: {  	_ =	shalt  }
0x7e: {  	_ =	shalt  }
0x7f: {  	_ =	shalt  }
0x80: {  	_ =	shalt  }
0x81: {  	_ =	shalt  }
0x82: {  	_ =	shalt  }
0x83: {  	_ =	shalt  }
0x84: {  	_ =	shalt  }
0x85: {  	_ =	shalt  }
0x86: {  	_ =	shalt  }
0x87: {  	_ =	shalt  }
.Lfunc_end0:
.L_simem_size_0:
called_computation_lowered:
.L_overlay_start_0:
0x88: {  	s2 =	sld [smem:$0x3FD9]  }
0x89: {  	s3 =	sld [smem:$0x3FFE];
	_ =	sdelay $0x1  }
0x8a: {  	s1 =	srdreg.scid  }
0x8b: {  	s0 =	sand.u32 $0x1, s1  }
0x8c: {  	s16 =	sshll.u32 s0, $0xA;
	s2 =	sadd.s32 s3, s2  }
0x8d: {  	s2 =	sadd.s32 s2, s16  }
0x8e: {  	[smem:$0x3FA2] =	sst s2  }
0x8f: {  	_ = 	snop  }
0x90: {  	(tm) =	ssettm $0x1  }
0x91: {  	s17 =	sld [smem:$0x3FFB];
	_ =	sdelay $0x3  }
0x92: {  	_ =	strace s17  }
0x93: {  	s2 =	sld [smem:$0x3FFC];
	_ =	sdelay $0x3  }
0x94: {  	_ =	strace s2  }
0x95: {  	s2 =	sld [smem:$0x3FFD];
	_ =	sdelay $0x3  }
0x96: {  	_ =	strace s2  }
0x97: {  	_ =	strace $0x8FFFFFFF  }
0x98: {  	s18 =	sld [smem:$0x3FDB];
	_ =	sdelay $0x1  }
0x99: {  	s19 =	simm.s32 $_scs_section_size  }
0x9a: {  	s4 =	simm.s32 $_size__tile_overlayer_lowered;
	s5 =	simm.s32 $_tile_overlayer_lowered  }
0x9b: {  	s22 =	simm.s32 $0x1BFF;
	s21 =	sshll.u32 s5, $0x1;
	s2 =	sadd.s32 s19, s18  }
0x9c: {  	s6 =	simm.s32 $0x0;
	s20 =	sshll.u32 s4, $0x1;
	s4 =	sadd.s32 s21, s2  }
0x9d: {  	[timem:s6], [sflag:s22] =	dma.local [hbm:s4], s20  }
0x9e: {  	_ =	swait.ge [sflag:s22], s20  }
0x9f: {  	s3 =	ssub.s32 $0x0, s20;
	[sflag:s22] =	ssyncset.done $0x0  }
0xa0: {  	[sflag:s22] =	ssyncadd.s32 s3;
	_ =	sdelay $0x1  }
0xa1: {  	s23 =	simm.s32 $0x1B8B  }
0xa2: {  	_ =	swait.ge [sflag:s23], $0x1  }
0xa3: {  	[sflag:s23] =	ssyncset.done $0x0  }
0xa4: {  	s25 =	simm.s32 $0x1B8E;
	s24 =	sld [smem:$0x3FFE];
	[sflag:s23] =	ssyncadd.s32 $0xFFFFFFFF  }
0xa5: {  	s26 =	simm.s32 $execute0_lowered;
	[smem:$0x3FD2] =	sst s25  }
0xa6: {  	s4 =	sshll.u32 s26, $0x1;
	_ =	strace $0x80000046;
	[dreg:$0x1] =	wrdreg $0xFFFFFFFF  }
0xa7: {  	s28 =	simm.s32 $_size_execute0_lowered;
	s2 =	sadd.s32 s2, s4;
	[dreg:$0x0] =	wrdreg $0x0  }
0xa8: {  	s4 =	sshll.u32 s28, $0x1;
	[dreg:$0x2] =	wrdreg s2  }
0xa9: {  	[dreg:$0x3] =	wrdreg s4  }
0xaa: {  	[dreg:$0x4] =	wrdreg $0xC0  }
0xab: {  	_ =	task [dreg:s6], $0x5FFFF  }
0xac: {  	[dreg:$0x1] =	wrdreg $0xFFFFFFFF  }
0xad: {  	[dreg:$0x0] =	wrdreg $0x60  }
0xae: {  	[dreg:$0x2] =	wrdreg s24  }
0xaf: {  	[dreg:$0x3] =	wrdreg $0x9  }
0xb0: {  	_ =	task.clear_ibuf [dreg:s6], $0x4FFFF;
	_ =	strace $0x90000046  }
0xb1: {  	s29 =	simm.s32 $0x9;
	_ =	strace $0x80000048  }
0xb2: {  	_ =	swait.ge [sflag:s29], $0x1  }
0xb3: {  	[sflag:s29] =	ssyncadd.s32 $0xFFFFFFFF  }
0xb4: {  	_ =	strace $0x90000048  }
0xb5: {  	_ =	sfence  }
0xb6: {  	s30 =	sld [smem:$0x0];
	_ =	sdelay $0x2  }
0xb7: {  	s31 =	sshll.u32 s1, $0xD;
	s1 =	sshrl.u32 s1, $0x2  }
0xb8: {  	s3 =	sand.u32 $0x4000, s31;
	s1 =	sadd.s32 s1, s30  }
0xb9: {  	s0 =	sor.u32 s3, s0;
	s1 =	sshll.u32 s1, $0x11  }
0xba: {  	s0 =	sor.u32 s1, s0  }
0xbb: {  	s0 =	sadd.s32 $0x8F2B, s0  }
0xbc: {  	[sflag:s0] =	ssyncadd.remote.s32 $0x1  }
0xbd: {  	_ =	sfence.sel $0xFFFF  }
0xbe: {  	[dreg:$0x0] =	wrdreg $0xFFFFFFFF;
	(pc) =	sbr.abs _section_cstart, $3  }
0xbf: {  	[dreg:$0x1] =	wrdreg $0xFFFFFFFF  }
0xc0: {  	_ =	task.clear_ibuf [dreg:s6], $0x2FFFF;
	_ =	strace $0x9FFFFFFF  }
0xc1: {  	(tm) =	ssettm $0x7FFFFFFF  }
tec
execute0_lowered:
.L_overlay_start_1:
0x0: {  	(tag) =	ssettag $0x1  }
0x1: {  	s1 =	srdreg.scid  }
0x2: {  	s0 =	stileid.u32;
	s5 =	rddreg [dreg:$0x0]  }
0x3: {  	s2 =	simm.s32 $0x0;
	s7 =	simm.s32 $0x2;
	s8 =	simm.s32 $0x80  }
0x4: {  	s26 =	simm.s32 $0x880;
	s9 =	simm.s32 $0x1080;
	s10 =	simm.s32 $0x1880  }
0x5: {  	s11 =	simm.s32 $0x2080;
	s12 =	simm.s32 $0x2880;
	s13 =	simm.s32 $0x3080  }
0x6: {  	s14 =	simm.s32 $0x3880;
	s15 =	simm.s32 $0x4080;
	s16 =	simm.s32 $0x4880  }
0x7: {  	s17 =	simm.s32 $0x5080;
	s18 =	simm.s32 $0x5880;
	s19 =	simm.s32 $0x6080  }
0x8: {  	s20 =	simm.s32 $0x6880;
	s21 =	simm.s32 $0x7080;
	s22 =	simm.s32 $0x7880  }
0x9: {  	s23 =	simm.s32 $0x8080;
	s24 =	simm.s32 $0x8880;
	s25 =	simm.s32 $0x9080  }
0xa: {  	s28 =	simm.s32 $0xA080;
	s29 =	simm.s32 $0xA880;
	s30 =	simm.s32 $0xB080  }
0xb: {  	s31 =	simm.s32 $0xB880;
	s1 =	sand.u32 $0x1, s1;
	[smem:$0x7FF] =	sst s2  }
0xc: {  	s3 =	sshll.u32 s0, $0x4;
	s4 =	sshll.u32 s1, $0x3;
	_ =	strace $0x80000047  }
0xd: {  	s1 =	ssub.s32 $0x2, s1;
	[dreg:$0x4] =	wrdreg s26;
	s3 =	sor.u32 s4, s3  }
0xe: {  	s6 =	sshrl.u32 s1, $0x1;
	s4 =	smul.u32 $0x300, s3;
	s3 =	sadd.s32 s3, s5  }
0xf: {  	s26 =	simm.s32 $0x9880;
	s1 =	ssub.s32 s1, s6;
	s3 =	sadd.s32 $0x36200, s3  }
0x10: {  	v2 =	vlaneseq.u32;
	s6 =	smax.u32 s1, $0x1;
	s1 =	simm.s32 $0x1;
	s4 =	sadd.s32 s4, s5  }
0x11: {  	vm0 =	vmmov $0xffff;
	v1 =	vshrl.u32 v2, $0x3;
	[dreg:$0x2] =	wrdreg s3;
	s3 =	sadd.s32 $0x36400, s5;
	s4 =	sadd.s32 $0x6200, s4  }
0x12: {  	v0 =	vand.u32 $0x7, v2;
	v2 =	vor.u32 $0x8, v2;
	v1 =	vmul.u32 $0x8, v1;
	[dreg:$0x3] =	wrdreg s4;
	s4 =	sadd.s32 $0x36500, s5;
	s5 =	sadd.s32 $0x36600, s5  }
.LBB2_1:
0x13: {  	s0 =	rddreg [dreg:$0x2]  }
0x14: {  	[tilespmem:s2], [sflag:$0x2] =	stream.linear.gather [hbm4b:s0+s2], $0x40, $0x38;
	[tilespmem:$0xC080] =	vst v63  }
0x15: {  	_ =	swait.ge [sflag:s7], $0x40  }
0x16: {  	[sflag:s7] =	ssyncset.done $0x0  }
0x17: {  	s0 =	rddreg [dreg:$0x3];
	[sflag:s7] =	ssyncadd.s32 $0xFFFFFFC0  }
0x18: {  	[tilespmem:s8], [sflag:$0x2] =	stream.linear.gather [hbm4b:s0+s2], $0xC000, $0x38;
	[tilespmem:$0xC080] =	vst v63  }
0x19: {  	_ =	swait.ge [sflag:s7], $0xC000  }
0x1a: {  	[sflag:s7] =	ssyncset.done $0x0  }
0x1b: {  	[sflag:s7] =	ssyncadd.s32 $0xFFFF4000  }
0x1c: {  	v3 =	vld [tilespmem:$0x0];
	_ =	sdelay $0x4  }
0x1d: {  	v4 =	vshrl.u32 v3, $0x3  }
0x1e: {  	v4 =	vmul.u32 $0x30, v4  }
0x1f: {  	v3 =	vand.u32 $0x7, v3  }
0x20: {  	v3 =	vor.u32 v3, v4  }
0x21: {  	v4 =	vperm.xlane v3, v0;
	_ =	sdelay $0x1  }
0x22: {  	v4 =	vadd.s32 v1, v4;
	_ =	sdelay $0x3  }
0x23: {  	v3 =	vperm.xlane v3, v2  }
0x24: {  	[hbm4b:s3+s2] =	stream.indirect_vreg.scatter [tilespmem:s8], [sflag:$0x1], $0x80, v4, vm0, $0xb8;
	[tilespmem:$0xC080] =	vst v63  }
0x25: {  	s0 =	rddreg [dreg:$0x4];
	v3 =	vadd.s32 v1, v3  }
0x26: {  	[hbm4b:s4+s2] =	stream.indirect_vreg.scatter [tilespmem:s0], [sflag:$0x1], $0x80, v4, vm0, $0xb8;
	[tilespmem:$0xC080] =	vst v63  }
0x27: {  	_ = 	snop  }
0x28: {  	[hbm4b:s5+s2] =	stream.indirect_vreg.scatter [tilespmem:s9], [sflag:$0x1], $0x80, v4, vm0, $0xb8;
	[tilespmem:$0xC080] =	vst v63  }
0x29: {  	_ = 	snop  }
0x2a: {  	[hbm4b:s3+s2] =	stream.indirect_vreg.scatter [tilespmem:s10], [sflag:$0x1], $0x80, v3, vm0, $0xb8;
	[tilespmem:$0xC080] =	vst v63  }
0x2b: {  	_ = 	snop  }
0x2c: {  	[hbm4b:s4+s2] =	stream.indirect_vreg.scatter [tilespmem:s11], [sflag:$0x1], $0x80, v3, vm0, $0xb8;
	[tilespmem:$0xC080] =	vst v63  }
0x2d: {  	_ = 	snop  }
0x2e: {  	[hbm4b:s5+s2] =	stream.indirect_vreg.scatter [tilespmem:s12], [sflag:$0x1], $0x80, v3, vm0, $0xb8;
	[tilespmem:$0xC080] =	vst v63  }
0x2f: {  	v3 =	vld [tilespmem:$0x10];
	_ =	sdelay $0x4  }
0x30: {  	v61 =	vshrl.u32 v3, $0x3  }
0x31: {  	v4 =	vmul.u32 $0x30, v61  }
0x32: {  	v3 =	vand.u32 $0x7, v3  }
0x33: {  	v3 =	vor.u32 v3, v4  }
0x34: {  	v4 =	vperm.xlane v3, v0;
	_ =	sdelay $0x1  }
0x35: {  	v4 =	vadd.s32 v1, v4;
	_ =	sdelay $0x3  }
0x36: {  	v3 =	vperm.xlane v3, v2  }
0x37: {  	[hbm4b:s3+s2] =	stream.indirect_vreg.scatter [tilespmem:s13], [sflag:$0x1], $0x80, v4, vm0, $0xb8;
	[tilespmem:$0xC080] =	vst v63  }
0x38: {  	v3 =	vadd.s32 v1, v3  }
0x39: {  	[hbm4b:s4+s2] =	stream.indirect_vreg.scatter [tilespmem:s14], [sflag:$0x1], $0x80, v4, vm0, $0xb8;
	[tilespmem:$0xC080] =	vst v63  }
0x3a: {  	_ = 	snop  }
0x3b: {  	[hbm4b:s5+s2] =	stream.indirect_vreg.scatter [tilespmem:s15], [sflag:$0x1], $0x80, v4, vm0, $0xb8;
	[tilespmem:$0xC080] =	vst v63  }
0x3c: {  	_ = 	snop  }
0x3d: {  	[hbm4b:s3+s2] =	stream.indirect_vreg.scatter [tilespmem:s16], [sflag:$0x1], $0x80, v3, vm0, $0xb8;
	[tilespmem:$0xC080] =	vst v63  }
0x3e: {  	_ = 	snop  }
0x3f: {  	[hbm4b:s4+s2] =	stream.indirect_vreg.scatter [tilespmem:s17], [sflag:$0x1], $0x80, v3, vm0, $0xb8;
	[tilespmem:$0xC080] =	vst v63  }
0x40: {  	_ = 	snop  }
0x41: {  	[hbm4b:s5+s2] =	stream.indirect_vreg.scatter [tilespmem:s18], [sflag:$0x1], $0x80, v3, vm0, $0xb8;
	[tilespmem:$0xC080] =	vst v63  }
0x42: {  	v3 =	vld [tilespmem:$0x20];
	_ =	sdelay $0x4  }
0x43: {  	v62 =	vshrl.u32 v3, $0x3  }
0x44: {  	v4 =	vmul.u32 $0x30, v62  }
0x45: {  	v3 =	vand.u32 $0x7, v3  }
0x46: {  	v3 =	vor.u32 v3, v4  }
0x47: {  	v4 =	vperm.xlane v3, v0;
	_ =	sdelay $0x1  }
0x48: {  	v4 =	vadd.s32 v1, v4;
	_ =	sdelay $0x3  }
0x49: {  	v3 =	vperm.xlane v3, v2  }
0x4a: {  	[hbm4b:s3+s2] =	stream.indirect_vreg.scatter [tilespmem:s19], [sflag:$0x1], $0x80, v4, vm0, $0xb8;
	[tilespmem:$0xC080] =	vst v63  }
0x4b: {  	v3 =	vadd.s32 v1, v3  }
0x4c: {  	[hbm4b:s4+s2] =	stream.indirect_vreg.scatter [tilespmem:s20], [sflag:$0x1], $0x80, v4, vm0, $0xb8;
	[tilespmem:$0xC080] =	vst v63  }
0x4d: {  	_ = 	snop  }
0x4e: {  	[hbm4b:s5+s2] =	stream.indirect_vreg.scatter [tilespmem:s21], [sflag:$0x1], $0x80, v4, vm0, $0xb8;
	[tilespmem:$0xC080] =	vst v63  }
0x4f: {  	_ = 	snop  }
0x50: {  	[hbm4b:s3+s2] =	stream.indirect_vreg.scatter [tilespmem:s22], [sflag:$0x1], $0x80, v3, vm0, $0xb8;
	[tilespmem:$0xC080] =	vst v63  }
0x51: {  	_ = 	snop  }
0x52: {  	[hbm4b:s4+s2] =	stream.indirect_vreg.scatter [tilespmem:s23], [sflag:$0x1], $0x80, v3, vm0, $0xb8;
	[tilespmem:$0xC080] =	vst v63  }
0x53: {  	_ = 	snop  }
0x54: {  	[hbm4b:s5+s2] =	stream.indirect_vreg.scatter [tilespmem:s24], [sflag:$0x1], $0x80, v3, vm0, $0xb8;
	[tilespmem:$0xC080] =	vst v63  }
0x55: {  	v3 =	vld [tilespmem:$0x30];
	_ =	sdelay $0x4  }
0x56: {  	v63 =	vshrl.u32 v3, $0x3  }
0x57: {  	v4 =	vmul.u32 $0x30, v63  }
0x58: {  	v3 =	vand.u32 $0x7, v3  }
0x59: {  	v3 =	vor.u32 v3, v4  }
0x5a: {  	v4 =	vperm.xlane v3, v0;
	_ =	sdelay $0x1  }
0x5b: {  	v4 =	vadd.s32 v1, v4;
	_ =	sdelay $0x3  }
0x5c: {  	v3 =	vperm.xlane v3, v2  }
0x5d: {  	[hbm4b:s3+s2] =	stream.indirect_vreg.scatter [tilespmem:s25], [sflag:$0x1], $0x80, v4, vm0, $0xb8;
	[tilespmem:$0xC080] =	vst v63  }
0x5e: {  	v3 =	vadd.s32 v1, v3  }
0x5f: {  	[hbm4b:s4+s2] =	stream.indirect_vreg.scatter [tilespmem:s26], [sflag:$0x1], $0x80, v4, vm0, $0xb8;
	[tilespmem:$0xC080] =	vst v63  }
0x60: {  	_ = 	snop  }
0x61: {  	[hbm4b:s5+s2] =	stream.indirect_vreg.scatter [tilespmem:s28], [sflag:$0x1], $0x80, v4, vm0, $0xb8;
	[tilespmem:$0xC080] =	vst v63  }
0x62: {  	_ = 	snop  }
0x63: {  	[hbm4b:s3+s2] =	stream.indirect_vreg.scatter [tilespmem:s29], [sflag:$0x1], $0x80, v3, vm0, $0xb8;
	[tilespmem:$0xC080] =	vst v63  }
0x64: {  	p0 =	sne.s32 s6, $0x1  }
0x65: {  	[hbm4b:s4+s2] =	stream.indirect_vreg.scatter [tilespmem:s30], [sflag:$0x1], $0x80, v3, vm0, $0xb8;
	[tilespmem:$0xC080] =	vst v63  }
.Ltmp0:
0x66: {  	_ = 	snop;
	(pc) =	sbr.rel @p0 .LBB2_1-.Ltmp0, $4  }
0x67: {  	[hbm4b:s5+s2] =	stream.indirect_vreg.scatter [tilespmem:s31], [sflag:$0x1], $0x80, v3, vm0, $0xb8;
	[tilespmem:$0xC080] =	vst v63  }
0x68: {  	_ =	swait.ge [sflag:s1], $0xC000  }
0x69: {  	[sflag:s1] =	ssyncset.done $0x0  }
0x6a: {  	s6 =	sadd.s32 $0xFFFFFFFF, s6;
	[sflag:s1] =	ssyncadd.s32 $0xFFFF4000  }
0x6b: {  	_ =	sfence.sel $0x180000  }
0x6c: {  	[bflag:$0x0] =	sbarrier.arrive $0xFFFF  }
0x6d: {  	_ =	strace $0x90000047  }
0x6e: {  	s0 =	stileid.u32;
	[bflag:$0x2] =	sbarrier.arrive $0xFFFF  }
0x6f: {  	p0 =	sne.s32 s0, $0x0;
	s0 =	rddreg [dreg:$0x1]  }
0x70: {  	s0 =	sadd.s32 @!p0 $0x100000, s0  }
0x71: {  	[sflag:s0] =	ssyncadd.tile.s32 @!p0 $0x1;
	_ =	shalt  }
.Lfunc_end2:
_tile_overlayer_lowered:
.L_overlay_start_2:
0x72: {  	(tag) =	ssettag $0x2  }
0x73: {  	s0 =	rddreg [dreg:$0x0];
	s2 =	stileid.u32  }
0x74: {  	s1 =	rddreg [dreg:$0x1];
	p0 =	sne.s32 s2, $0x0  }
0x75: {  	s3 =	rddreg [dreg:$0x2];
	[bflag:$0x3] =	sbarrier.arrive $0xFFFF;
	s2 =	simm.s32 @!p0 $0x1C02  }
0x76: {  	[timem:s3], [sflag:s2] =	dma.local @!p0 [hbm:s0], s1  }
0x77: {  	s0 =	simm.s32 @!p0 $0x2  }
0x78: {  	_ =	swait.ge @!p0 [sflag:s0], s1  }
0x79: {  	s1 =	ssub.s32 @!p0 $0x0, s1;
	[sflag:s0] =	ssyncset.done @!p0 $0x0  }
0x7a: {  	[sflag:s0] =	ssyncadd.s32 @!p0 s1  }
0x7b: {  	[bflag:$0x3] =	sbarrier.arrive $0xFFFF  }
0x7c: {  	_ =	shalt  }

</sc_bundles>
